<compile_context>
chip_gen: v7x
topology: tpu7x:2x2x1
jax: 0.10.2.dev20260603
libtpu: 0.0.44.dev20260713+nightly
codegen_flags: <defaults>
</compile_context>

<pallas_src>
import functools

import jax
import jax.numpy as jnp
from jax import lax
from jax.experimental import pallas as pl
from jax.experimental.pallas import tpu as pltpu
from jax.experimental.pallas import tpu_sc as plsc

N_NODES = 10000
N_EDGES = 320000
D = 128

NC = 2
NS = 16
NW = NC * NS
E_PER_W = N_EDGES // NW
CHUNK = 100
EPW_PAD = 10000
NKW = EPW_PAD // CHUNK
GRP = 4
NG = NKW // GRP
N_PAD = 10240
ROWS_PER_TILE = N_PAD // NS


def _sc_segment_sum(x, src_w, dst_w, zeros):
    mesh = plsc.VectorSubcoreMesh(
        core_axis_name="c", subcore_axis_name="s", num_cores=NC, num_subcores=NS
    )

    @functools.partial(
        pl.kernel,
        out_type=jax.ShapeDtypeStruct((NC, N_PAD, D), jnp.float32),
        mesh=mesh,
        scratch_types=[
            pltpu.VMEM((2, GRP, CHUNK), jnp.int32),
            pltpu.VMEM((2, GRP, CHUNK), jnp.int32),
            pltpu.VMEM((CHUNK, D), jnp.float32),
            pltpu.VMEM((CHUNK, D), jnp.float32),
            pltpu.VMEM_SHARED((N_PAD, D), jnp.float32),
            pltpu.SemaphoreType.DMA,
            pltpu.SemaphoreType.DMA,
            pltpu.SemaphoreType.DMA,
            pltpu.SemaphoreType.DMA,
            pltpu.SemaphoreType.DMA,
        ],
    )
    def agg_kernel(x_hbm, src_hbm, dst_hbm, zeros_hbm, out_hbm,
                   src_v, dst_v, rows0_v, rows1_v, acc_sh,
                   sem0, sem1, sems0, sems1, semi):
        c = lax.axis_index("c")
        s = lax.axis_index("s")
        wid = s * NC + c

        row0 = s * ROWS_PER_TILE
        pltpu.sync_copy(
            zeros_hbm.at[pl.ds(0, ROWS_PER_TILE)],
            acc_sh.at[pl.ds(row0, ROWS_PER_TILE)],
        )

        pltpu.sync_copy(src_hbm.at[wid * NG], src_v.at[0])
        pltpu.sync_copy(dst_hbm.at[wid * NG], dst_v.at[0])
        plsc.subcore_barrier()
        pltpu.async_copy(x_hbm.at[src_v.at[0, 0]], rows0_v, sem0)

        rows = (rows0_v, rows1_v)
        gsems = (sem0, sem1)
        ssems = (sems0, sems1)

        @pl.loop(0, NG)
        def group(g):
            p = lax.rem(g, 2)

            @pl.when(g > 0)
            def _():
                pltpu.make_async_copy(
                    rows[(GRP - 1) % 2],
                    acc_sh.at[dst_v.at[1 - p, GRP - 1]],
                    ssems[(GRP - 1) % 2]).wait()

            @pl.when(g < NG - 1)
            def _():
                pltpu.async_copy(src_hbm.at[wid * NG + g + 1], src_v.at[1 - p],
                                 semi)
                pltpu.async_copy(dst_hbm.at[wid * NG + g + 1], dst_v.at[1 - p],
                                 semi)

            for k in range(GRP):
                cur, nxt = rows[k % 2], rows[(k + 1) % 2]
                gsem_cur, gsem_nxt = gsems[k % 2], gsems[(k + 1) % 2]
                if 0 < k < GRP - 1:
                    pltpu.make_async_copy(
                        nxt, acc_sh.at[dst_v.at[p, k - 1]],
                        ssems[(k - 1) % 2]).wait()
                if k < GRP - 1:
                    pltpu.async_copy(x_hbm.at[src_v.at[p, k + 1]], nxt, gsem_nxt)
                else:
                    @pl.when(g < NG - 1)
                    def _():
                        pltpu.make_async_copy(
                            nxt, acc_sh.at[dst_v.at[p, k - 1]],
                            ssems[(k - 1) % 2]).wait()
                        pltpu.make_async_copy(
                            src_hbm.at[wid * NG + g + 1],
                            src_v.at[1 - p], semi).wait()
                        pltpu.make_async_copy(
                            dst_hbm.at[wid * NG + g + 1],
                            dst_v.at[1 - p], semi).wait()
                        pltpu.async_copy(
                            x_hbm.at[src_v.at[1 - p, 0]], nxt, gsem_nxt)
                pltpu.make_async_copy(
                    x_hbm.at[src_v.at[p, k]], cur, gsem_cur).wait()
                pltpu.async_copy(cur, acc_sh.at[dst_v.at[p, k]],
                                 ssems[k % 2], add=True)

        p_last = (NG - 1) % 2
        pltpu.make_async_copy(
            rows[(GRP - 2) % 2], acc_sh.at[dst_v.at[p_last, GRP - 2]],
            ssems[(GRP - 2) % 2]).wait()
        pltpu.make_async_copy(
            rows[(GRP - 1) % 2], acc_sh.at[dst_v.at[p_last, GRP - 1]],
            ssems[(GRP - 1) % 2]).wait()

        plsc.subcore_barrier()
        pltpu.sync_copy(
            acc_sh.at[pl.ds(row0, ROWS_PER_TILE)],
            out_hbm.at[c].at[pl.ds(row0, ROWS_PER_TILE)],
        )

    return agg_kernel(x, src_w, dst_w, zeros)


def _dense_kernel(x_ref, a0_ref, a1_ref, ws_ref, wn_ref, b_ref, o_ref):
    agg = a0_ref[0] + a1_ref[0]
    h = jnp.dot(x_ref[...], ws_ref[...], preferred_element_type=jnp.float32)
    h = h + jnp.dot(agg, wn_ref[...], preferred_element_type=jnp.float32)
    o_ref[...] = jnp.maximum(h + b_ref[...], 0.0)


def _dense(x, agg, W_self, W_nbr, b):
    blk = 2000
    return pl.pallas_call(
        _dense_kernel,
        out_shape=jax.ShapeDtypeStruct((N_NODES, D), jnp.float32),
        grid=(N_NODES // blk,),
        in_specs=[
            pl.BlockSpec((blk, D), lambda i: (i, 0)),
            pl.BlockSpec((1, blk, D), lambda i: (0, i, 0)),
            pl.BlockSpec((1, blk, D), lambda i: (1, i, 0)),
            pl.BlockSpec((D, D), lambda i: (0, 0)),
            pl.BlockSpec((D, D), lambda i: (0, 0)),
            pl.BlockSpec((1, D), lambda i: (0, 0)),
        ],
        out_specs=pl.BlockSpec((blk, D), lambda i: (i, 0)),
    )(x, agg, agg, W_self, W_nbr, b)


@jax.jit
def kernel(x, edge_index, W_self, W_nbr, b):
    ei = edge_index.astype(jnp.int32)
    pad = EPW_PAD - E_PER_W
    src_w = jnp.pad(ei[0].reshape(NW, E_PER_W), ((0, 0), (0, pad)),
                    constant_values=0).reshape(NW * NG, GRP, CHUNK)
    dummy = jnp.broadcast_to(N_NODES + jnp.arange(pad, dtype=jnp.int32),
                             (NW, pad))
    dst_w = jnp.concatenate(
        [ei[1].reshape(NW, E_PER_W), dummy], axis=1).reshape(NW * NG, GRP, CHUNK)
    zeros = jnp.zeros((ROWS_PER_TILE, D), dtype=jnp.float32)
    agg = _sc_segment_sum(x, src_w, dst_w, zeros)
    return _dense(x, agg, W_self, W_nbr, b.reshape(1, D))

# --- scband reference (transcript-rebuilt; emitter-appended) ---
"""Pipeline reference for scband-base-gnnencoder-layer-17171279249941 (READ-ONLY COPY).

The authoritative reference and input builder live on the scoring server;
editing this copy changes nothing except your own understanding.
"""

import jax, jax.numpy as jnp
import numpy as np

N_NODES = 10000
N_EDGES = 320000
D = 128

def setup_inputs(seed: int = 0) -> dict:
    key = jax.random.key(seed)
    k_x, k_ei, k_ws, k_wn, k_b = jax.random.split(key, 5)
    x = jax.random.normal(k_x, (N_NODES, D), dtype=jnp.float32)
    edge_index = jax.random.randint(k_ei, (2, N_EDGES), 0, N_NODES, dtype=jnp.int64)
    # GraphConv-style parameters: self weight, neighbor weight, bias (hidden_size=128)
    scale = 1.0 / np.sqrt(D)
    W_self = jax.random.normal(k_ws, (D, D), dtype=jnp.float32) * scale
    W_nbr = jax.random.normal(k_wn, (D, D), dtype=jnp.float32) * scale
    b = jax.random.normal(k_b, (D,), dtype=jnp.float32) * scale
    return {"x": x, "edge_index": edge_index, "W_self": W_self, "W_nbr": W_nbr, "b": b}

def reference(x, edge_index, W_self, W_nbr, b):
    # self.conv(x, edge_index): GraphConv-style message passing
    src = edge_index[0]
    dst = edge_index[1]
    msgs = jnp.take(x, src, axis=0) @ W_nbr            # gather + transform
    agg = jax.ops.segment_sum(msgs, dst, num_segments=N_NODES)  # scatter-add to dst
    h = x @ W_self + agg + b
    # dropout (rate=0.0, eval) is identity; activation = relu
    return jax.nn.relu(h)

if __name__ == "__main__":
    import jax
    _d = setup_inputs()
    print(jax.jit(kernel)(*tuple(_d.values())))

</pallas_src>

<mosaic_0001>
#map = affine_map<(d0, d1) -> (0, 0)>
#map1 = affine_map<(d0, d1) -> (0, 0, 0)>
module attributes {stable_mosaic.version = 14 : i64} {
  func.func @agg_kernel(%arg0: i32, %arg1: i32, %arg2: memref<10000x128xf32, #tpu.memory_space<hbm>>, %arg3: memref<800x4x100xi32, #tpu.memory_space<hbm>>, %arg4: memref<800x4x100xi32, #tpu.memory_space<hbm>>, %arg5: memref<640x128xf32, #tpu.memory_space<hbm>>, %arg6: memref<2x10240x128xf32, #tpu.memory_space<hbm>>, %arg7: memref<2x4x100xi32, #tpu.memory_space<vmem>>, %arg8: memref<2x4x100xi32, #tpu.memory_space<vmem>>, %arg9: memref<100x128xf32, #tpu.memory_space<vmem>>, %arg10: memref<100x128xf32, #tpu.memory_space<vmem>>, %arg11: memref<10240x128xf32, #tpu.memory_space<vmem_shared>>, %arg12: memref<!tpu.dma_semaphore, #tpu.memory_space<semaphore_mem>>, %arg13: memref<!tpu.dma_semaphore, #tpu.memory_space<semaphore_mem>>, %arg14: memref<!tpu.dma_semaphore, #tpu.memory_space<semaphore_mem>>, %arg15: memref<!tpu.dma_semaphore, #tpu.memory_space<semaphore_mem>>, %arg16: memref<!tpu.dma_semaphore, #tpu.memory_space<semaphore_mem>>) attributes {dimension_semantics = [#tpu.dimension_semantics<core_parallel>, #tpu.dimension_semantics<subcore_parallel>], iteration_bounds = array<i64: 2, 16>, scalar_prefetch = 0 : i64, scratch_operands = 10 : i64, tpu.core_type = #tpu.core_type<sc_vector_subcore>, window_params = [{transform_indices = #map}, {transform_indices = #map1}, {transform_indices = #map1}, {transform_indices = #map}, {transform_indices = #map1}]} {
    %mul3A = arith.constant 2 : i32
    %mul3A_0 = arith.muli %arg1, %mul3A : i32
    %add3A = arith.addi %mul3A_0, %arg0 : i32
    %mul3A_1 = arith.constant 640 : i32
    %mul3A_2 = arith.muli %arg1, %mul3A_1 : i32
    "tpu.region"() ({
      %run_scoped3A_35 = tpu.sem_alloc : memref<!tpu.dma_semaphore, #tpu.memory_space<semaphore_mem>>
      %dma_start3A_36 = arith.constant 0 : i32
      %dma_start3A_37 = tpu.memref_slice %arg11[%mul3A_2, %dma_start3A_36] : memref<10240x128xf32, #tpu.memory_space<vmem_shared>> -> memref<640x128xf32, #tpu.memory_space<vmem_shared>>
      %dma_start3A_38 = arith.constant 0 : i32
      %dma_start3A_39 = arith.constant 0 : i32
      %dma_start3A_40 = tpu.memref_slice %arg5[%dma_start3A_38, %dma_start3A_39] : memref<640x128xf32, #tpu.memory_space<hbm>> -> memref<640x128xf32, #tpu.memory_space<hbm>>
      tpu.enqueue_dma source(%dma_start3A_40 : memref<640x128xf32, #tpu.memory_space<hbm>>) target(%dma_start3A_37 : memref<640x128xf32, #tpu.memory_space<vmem_shared>>) target_semaphore(%run_scoped3A_35 : memref<!tpu.dma_semaphore, #tpu.memory_space<semaphore_mem>>)
      %dma_wait3A_41 = arith.constant 0 : i32
      %dma_wait3A_42 = tpu.memref_slice %arg11[%mul3A_2, %dma_wait3A_41] : memref<10240x128xf32, #tpu.memory_space<vmem_shared>> -> memref<640x128xf32, #tpu.memory_space<vmem_shared>>
      %dma_wait3A_43 = arith.constant 0 : i32
      %dma_wait3A_44 = arith.constant 0 : i32
      %dma_wait3A_45 = tpu.memref_slice %arg5[%dma_wait3A_43, %dma_wait3A_44] : memref<640x128xf32, #tpu.memory_space<hbm>> -> memref<640x128xf32, #tpu.memory_space<hbm>>
      tpu.wait_dma2 semaphore(%run_scoped3A_35 : memref<!tpu.dma_semaphore, #tpu.memory_space<semaphore_mem>>) src(%dma_wait3A_45 : memref<640x128xf32, #tpu.memory_space<hbm>>) dst(%dma_wait3A_42 : memref<640x128xf32, #tpu.memory_space<vmem_shared>>)
      tpu.yield
    }) : () -> ()
    %mul3A_3 = arith.constant 25 : i32
    %mul3A_4 = arith.muli %add3A, %mul3A_3 : i32
    %run_scoped3A = arith.constant 0 : i32
    "tpu.region"() ({
      %run_scoped3A_35 = tpu.sem_alloc : memref<!tpu.dma_semaphore, #tpu.memory_space<semaphore_mem>>
      %dma_start3A_36 = arith.constant 0 : i32
      %dma_start3A_37 = arith.constant 0 : i32
      %dma_start3A_38 = tpu.memref_slice %arg7[%run_scoped3A, %dma_start3A_36, %dma_start3A_37] : memref<2x4x100xi32, #tpu.memory_space<vmem>> -> memref<1x4x100xi32, #tpu.memory_space<vmem>>
      %dma_start3A_39 = tpu.memref_squeeze %dma_start3A_38 : memref<1x4x100xi32, #tpu.memory_space<vmem>> -> memref<4x100xi32, #tpu.memory_space<vmem>>
      %dma_start3A_40 = arith.constant 0 : i32
      %dma_start3A_41 = arith.constant 0 : i32
      %dma_start3A_42 = tpu.memref_slice %arg3[%mul3A_4, %dma_start3A_40, %dma_start3A_41] : memref<800x4x100xi32, #tpu.memory_space<hbm>> -> memref<1x4x100xi32, #tpu.memory_space<hbm>>
      %dma_start3A_43 = tpu.memref_squeeze %dma_start3A_42 : memref<1x4x100xi32, #tpu.memory_space<hbm>> -> memref<4x100xi32, #tpu.memory_space<hbm>>
      %dma_start3A_44 = arith.constant 0 : i32
      %dma_start3A_45 = arith.constant 0 : i32
      %dma_start3A_46 = tpu.memref_slice %arg7[%run_scoped3A, %dma_start3A_44, %dma_start3A_45] : memref<2x4x100xi32, #tpu.memory_space<vmem>> -> memref<1x4x100xi32, #tpu.memory_space<vmem>>
      %dma_start3A_47 = tpu.memref_squeeze %dma_start3A_46 : memref<1x4x100xi32, #tpu.memory_space<vmem>> -> memref<4x100xi32, #tpu.memory_space<vmem>>
      %dma_start3A_48 = arith.constant 0 : i32
      %dma_start3A_49 = arith.constant 0 : i32
      %dma_start3A_50 = tpu.memref_slice %arg3[%mul3A_4, %dma_start3A_48, %dma_start3A_49] : memref<800x4x100xi32, #tpu.memory_space<hbm>> -> memref<1x4x100xi32, #tpu.memory_space<hbm>>
      %dma_start3A_51 = tpu.memref_squeeze %dma_start3A_50 : memref<1x4x100xi32, #tpu.memory_space<hbm>> -> memref<4x100xi32, #tpu.memory_space<hbm>>
      tpu.enqueue_dma source(%dma_start3A_51 : memref<4x100xi32, #tpu.memory_space<hbm>>) target(%dma_start3A_47 : memref<4x100xi32, #tpu.memory_space<vmem>>) target_semaphore(%run_scoped3A_35 : memref<!tpu.dma_semaphore, #tpu.memory_space<semaphore_mem>>)
      %dma_wait3A_52 = arith.constant 0 : i32
      %dma_wait3A_53 = arith.constant 0 : i32
      %dma_wait3A_54 = tpu.memref_slice %arg7[%run_scoped3A, %dma_wait3A_52, %dma_wait3A_53] : memref<2x4x100xi32, #tpu.memory_space<vmem>> -> memref<1x4x100xi32, #tpu.memory_space<vmem>>
      %dma_wait3A_55 = tpu.memref_squeeze %dma_wait3A_54 : memref<1x4x100xi32, #tpu.memory_space<vmem>> -> memref<4x100xi32, #tpu.memory_space<vmem>>
      %dma_wait3A_56 = arith.constant 0 : i32
      %dma_wait3A_57 = arith.constant 0 : i32
      %dma_wait3A_58 = tpu.memref_slice %arg3[%mul3A_4, %dma_wait3A_56, %dma_wait3A_57] : memref<800x4x100xi32, #tpu.memory_space<hbm>> -> memref<1x4x100xi32, #tpu.memory_space<hbm>>
      %dma_wait3A_59 = tpu.memref_squeeze %dma_wait3A_58 : memref<1x4x100xi32, #tpu.memory_space<hbm>> -> memref<4x100xi32, #tpu.memory_space<hbm>>
      %dma_wait3A_60 = arith.constant 0 : i32
      %dma_wait3A_61 = arith.constant 0 : i32
      %dma_wait3A_62 = tpu.memref_slice %arg7[%run_scoped3A, %dma_wait3A_60, %dma_wait3A_61] : memref<2x4x100xi32, #tpu.memory_space<vmem>> -> memref<1x4x100xi32, #tpu.memory_space<vmem>>
      %dma_wait3A_63 = tpu.memref_squeeze %dma_wait3A_62 : memref<1x4x100xi32, #tpu.memory_space<vmem>> -> memref<4x100xi32, #tpu.memory_space<vmem>>
      %dma_wait3A_64 = arith.constant 0 : i32
      %dma_wait3A_65 = arith.constant 0 : i32
      %dma_wait3A_66 = tpu.memref_slice %arg3[%mul3A_4, %dma_wait3A_64, %dma_wait3A_65] : memref<800x4x100xi32, #tpu.memory_space<hbm>> -> memref<1x4x100xi32, #tpu.memory_space<hbm>>
      %dma_wait3A_67 = tpu.memref_squeeze %dma_wait3A_66 : memref<1x4x100xi32, #tpu.memory_space<hbm>> -> memref<4x100xi32, #tpu.memory_space<hbm>>
      tpu.wait_dma2 semaphore(%run_scoped3A_35 : memref<!tpu.dma_semaphore, #tpu.memory_space<semaphore_mem>>) src(%dma_wait3A_67 : memref<4x100xi32, #tpu.memory_space<hbm>>) dst(%dma_wait3A_63 : memref<4x100xi32, #tpu.memory_space<vmem>>)
      tpu.yield
    }) : () -> ()
    %mul3A_5 = arith.constant 25 : i32
    %mul3A_6 = arith.muli %add3A, %mul3A_5 : i32
    %run_scoped3A_7 = arith.constant 0 : i32
    "tpu.region"() ({
      %run_scoped3A_35 = tpu.sem_alloc : memref<!tpu.dma_semaphore, #tpu.memory_space<semaphore_mem>>
      %dma_start3A_36 = arith.constant 0 : i32
      %dma_start3A_37 = arith.constant 0 : i32
      %dma_start3A_38 = tpu.memref_slice %arg8[%run_scoped3A_7, %dma_start3A_36, %dma_start3A_37] : memref<2x4x100xi32, #tpu.memory_space<vmem>> -> memref<1x4x100xi32, #tpu.memory_space<vmem>>
      %dma_start3A_39 = tpu.memref_squeeze %dma_start3A_38 : memref<1x4x100xi32, #tpu.memory_space<vmem>> -> memref<4x100xi32, #tpu.memory_space<vmem>>
      %dma_start3A_40 = arith.constant 0 : i32
      %dma_start3A_41 = arith.constant 0 : i32
      %dma_start3A_42 = tpu.memref_slice %arg4[%mul3A_6, %dma_start3A_40, %dma_start3A_41] : memref<800x4x100xi32, #tpu.memory_space<hbm>> -> memref<1x4x100xi32, #tpu.memory_space<hbm>>
      %dma_start3A_43 = tpu.memref_squeeze %dma_start3A_42 : memref<1x4x100xi32, #tpu.memory_space<hbm>> -> memref<4x100xi32, #tpu.memory_space<hbm>>
      %dma_start3A_44 = arith.constant 0 : i32
      %dma_start3A_45 = arith.constant 0 : i32
      %dma_start3A_46 = tpu.memref_slice %arg8[%run_scoped3A_7, %dma_start3A_44, %dma_start3A_45] : memref<2x4x100xi32, #tpu.memory_space<vmem>> -> memref<1x4x100xi32, #tpu.memory_space<vmem>>
      %dma_start3A_47 = tpu.memref_squeeze %dma_start3A_46 : memref<1x4x100xi32, #tpu.memory_space<vmem>> -> memref<4x100xi32, #tpu.memory_space<vmem>>
      %dma_start3A_48 = arith.constant 0 : i32
      %dma_start3A_49 = arith.constant 0 : i32
      %dma_start3A_50 = tpu.memref_slice %arg4[%mul3A_6, %dma_start3A_48, %dma_start3A_49] : memref<800x4x100xi32, #tpu.memory_space<hbm>> -> memref<1x4x100xi32, #tpu.memory_space<hbm>>
      %dma_start3A_51 = tpu.memref_squeeze %dma_start3A_50 : memref<1x4x100xi32, #tpu.memory_space<hbm>> -> memref<4x100xi32, #tpu.memory_space<hbm>>
      tpu.enqueue_dma source(%dma_start3A_51 : memref<4x100xi32, #tpu.memory_space<hbm>>) target(%dma_start3A_47 : memref<4x100xi32, #tpu.memory_space<vmem>>) target_semaphore(%run_scoped3A_35 : memref<!tpu.dma_semaphore, #tpu.memory_space<semaphore_mem>>)
      %dma_wait3A_52 = arith.constant 0 : i32
      %dma_wait3A_53 = arith.constant 0 : i32
      %dma_wait3A_54 = tpu.memref_slice %arg8[%run_scoped3A_7, %dma_wait3A_52, %dma_wait3A_53] : memref<2x4x100xi32, #tpu.memory_space<vmem>> -> memref<1x4x100xi32, #tpu.memory_space<vmem>>
      %dma_wait3A_55 = tpu.memref_squeeze %dma_wait3A_54 : memref<1x4x100xi32, #tpu.memory_space<vmem>> -> memref<4x100xi32, #tpu.memory_space<vmem>>
      %dma_wait3A_56 = arith.constant 0 : i32
      %dma_wait3A_57 = arith.constant 0 : i32
      %dma_wait3A_58 = tpu.memref_slice %arg4[%mul3A_6, %dma_wait3A_56, %dma_wait3A_57] : memref<800x4x100xi32, #tpu.memory_space<hbm>> -> memref<1x4x100xi32, #tpu.memory_space<hbm>>
      %dma_wait3A_59 = tpu.memref_squeeze %dma_wait3A_58 : memref<1x4x100xi32, #tpu.memory_space<hbm>> -> memref<4x100xi32, #tpu.memory_space<hbm>>
      %dma_wait3A_60 = arith.constant 0 : i32
      %dma_wait3A_61 = arith.constant 0 : i32
      %dma_wait3A_62 = tpu.memref_slice %arg8[%run_scoped3A_7, %dma_wait3A_60, %dma_wait3A_61] : memref<2x4x100xi32, #tpu.memory_space<vmem>> -> memref<1x4x100xi32, #tpu.memory_space<vmem>>
      %dma_wait3A_63 = tpu.memref_squeeze %dma_wait3A_62 : memref<1x4x100xi32, #tpu.memory_space<vmem>> -> memref<4x100xi32, #tpu.memory_space<vmem>>
      %dma_wait3A_64 = arith.constant 0 : i32
      %dma_wait3A_65 = arith.constant 0 : i32
      %dma_wait3A_66 = tpu.memref_slice %arg4[%mul3A_6, %dma_wait3A_64, %dma_wait3A_65] : memref<800x4x100xi32, #tpu.memory_space<hbm>> -> memref<1x4x100xi32, #tpu.memory_space<hbm>>
      %dma_wait3A_67 = tpu.memref_squeeze %dma_wait3A_66 : memref<1x4x100xi32, #tpu.memory_space<hbm>> -> memref<4x100xi32, #tpu.memory_space<hbm>>
      tpu.wait_dma2 semaphore(%run_scoped3A_35 : memref<!tpu.dma_semaphore, #tpu.memory_space<semaphore_mem>>) src(%dma_wait3A_67 : memref<4x100xi32, #tpu.memory_space<hbm>>) dst(%dma_wait3A_63 : memref<4x100xi32, #tpu.memory_space<vmem>>)
      tpu.yield
    }) : () -> ()
    %barrier3A = arith.constant 0 : index
    tpu.barrier barrier_id(%barrier3A)
    %dma_start3A = arith.constant 0 : i32
    %dma_start3A_8 = arith.constant 0 : i32
    %dma_start3A_9 = arith.constant 0 : i32
    %dma_start3A_10 = tpu.memref_slice %arg7[%dma_start3A, %dma_start3A_8, %dma_start3A_9] : memref<2x4x100xi32, #tpu.memory_space<vmem>> -> memref<1x1x100xi32, #tpu.memory_space<vmem>>
    %dma_start3A_11 = tpu.memref_squeeze %dma_start3A_10 : memref<1x1x100xi32, #tpu.memory_space<vmem>> -> memref<100xi32, #tpu.memory_space<vmem>>
    %dma_start3A_12 = arith.constant 0 : i32
    %dma_start3A_13 = arith.constant 0 : i32
    %dma_start3A_14 = tpu.memref_slice %arg2[%dma_start3A_12, %dma_start3A_13] : memref<10000x128xf32, #tpu.memory_space<hbm>> -> memref<10000x128xf32, #tpu.memory_space<hbm>>
    tpu.enqueue_indirect_dma source(%dma_start3A_14 : memref<10000x128xf32, #tpu.memory_space<hbm>>) target(%arg9 : memref<100x128xf32, #tpu.memory_space<vmem>>) offsets(%dma_start3A_11 : memref<100xi32, #tpu.memory_space<vmem>>) semaphore(%arg12 : memref<!tpu.dma_semaphore, #tpu.memory_space<semaphore_mem>>)
    %scan3A = arith.constant 0 : i32
    %scan3A_15 = arith.constant 25 : i32
    %scan3A_16 = arith.addi %scan3A, %scan3A_15 : i32
    %scan3A_17 = arith.constant 1 : i32
    scf.for %scan3A_35 = %scan3A to %scan3A_16 step %scan3A_17  : i32 {
      %mul3A_36 = arith.constant 1 : i32
      %mul3A_37 = arith.muli %scan3A_35, %mul3A_36 : i32
      %add3A_38 = arith.constant 0 : i32
      %add3A_39 = arith.addi %add3A_38, %mul3A_37 : i32
      %rem3A = arith.constant 2 : i32
      %rem3A_40 = arith.remsi %add3A_39, %rem3A : i32
      %gt3A = arith.constant 0 : i32
      %gt3A_41 = arith.cmpi sgt, %add3A_39, %gt3A : i32
      %convert_element_type3A = arith.extui %gt3A_41 : i1 to i32
      %cond3A = arith.constant 0 : i32
      %cond3A_42 = arith.cmpi ne, %convert_element_type3A, %cond3A : i32
      scf.if %cond3A_42 {
        %sub3A = arith.constant 1 : i32
        %sub3A_143 = arith.subi %sub3A, %rem3A_40 : i32
        %dma_wait3A_144 = arith.constant 3 : i32
        %dma_wait3A_145 = arith.constant 0 : i32
        %dma_wait3A_146 = tpu.memref_slice %arg8[%sub3A_143, %dma_wait3A_144, %dma_wait3A_145] : memref<2x4x100xi32, #tpu.memory_space<vmem>> -> memref<1x1x100xi32, #tpu.memory_space<vmem>>
        %dma_wait3A_147 = tpu.memref_squeeze %dma_wait3A_146 : memref<1x1x100xi32, #tpu.memory_space<vmem>> -> memref<100xi32, #tpu.memory_space<vmem>>
        %dma_wait3A_148 = arith.constant 0 : i32
        %dma_wait3A_149 = arith.constant 0 : i32
        %dma_wait3A_150 = tpu.memref_slice %arg11[%dma_wait3A_148, %dma_wait3A_149] : memref<10240x128xf32, #tpu.memory_space<vmem_shared>> -> memref<10240x128xf32, #tpu.memory_space<vmem_shared>>
        tpu.wait_indirect_dma semaphore(%arg15 : memref<!tpu.dma_semaphore, #tpu.memory_space<semaphore_mem>>) src(%arg10 : memref<100x128xf32, #tpu.memory_space<vmem>>) dst(%dma_wait3A_150 : memref<10240x128xf32, #tpu.memory_space<vmem_shared>>)
      } else {
      }
      %lt3A = arith.constant 24 : i32
      %lt3A_43 = arith.cmpi slt, %add3A_39, %lt3A : i32
      %convert_element_type3A_44 = arith.extui %lt3A_43 : i1 to i32
      %cond3A_45 = arith.constant 0 : i32
      %cond3A_46 = arith.cmpi ne, %convert_element_type3A_44, %cond3A_45 : i32
      scf.if %cond3A_46 {
        %mul3A_143 = arith.constant 25 : i32
        %mul3A_144 = arith.muli %add3A, %mul3A_143 : i32
        %add3A_145 = arith.addi %mul3A_144, %add3A_39 : i32
        %add3A_146 = arith.constant 1 : i32
        %add3A_147 = arith.addi %add3A_145, %add3A_146 : i32
        %sub3A = arith.constant 1 : i32
        %sub3A_148 = arith.subi %sub3A, %rem3A_40 : i32
        %dma_start3A_149 = arith.constant 0 : i32
        %dma_start3A_150 = arith.constant 0 : i32
        %dma_start3A_151 = tpu.memref_slice %arg7[%sub3A_148, %dma_start3A_149, %dma_start3A_150] : memref<2x4x100xi32, #tpu.memory_space<vmem>> -> memref<1x4x100xi32, #tpu.memory_space<vmem>>
        %dma_start3A_152 = tpu.memref_squeeze %dma_start3A_151 : memref<1x4x100xi32, #tpu.memory_space<vmem>> -> memref<4x100xi32, #tpu.memory_space<vmem>>
        %dma_start3A_153 = arith.constant 0 : i32
        %dma_start3A_154 = arith.constant 0 : i32
        %dma_start3A_155 = tpu.memref_slice %arg3[%add3A_147, %dma_start3A_153, %dma_start3A_154] : memref<800x4x100xi32, #tpu.memory_space<hbm>> -> memref<1x4x100xi32, #tpu.memory_space<hbm>>
        %dma_start3A_156 = tpu.memref_squeeze %dma_start3A_155 : memref<1x4x100xi32, #tpu.memory_space<hbm>> -> memref<4x100xi32, #tpu.memory_space<hbm>>
        %dma_start3A_157 = arith.constant 0 : i32
        %dma_start3A_158 = arith.constant 0 : i32
        %dma_start3A_159 = tpu.memref_slice %arg7[%sub3A_148, %dma_start3A_157, %dma_start3A_158] : memref<2x4x100xi32, #tpu.memory_space<vmem>> -> memref<1x4x100xi32, #tpu.memory_space<vmem>>
        %dma_start3A_160 = tpu.memref_squeeze %dma_start3A_159 : memref<1x4x100xi32, #tpu.memory_space<vmem>> -> memref<4x100xi32, #tpu.memory_space<vmem>>
        %dma_start3A_161 = arith.constant 0 : i32
        %dma_start3A_162 = arith.constant 0 : i32
        %dma_start3A_163 = tpu.memref_slice %arg3[%add3A_147, %dma_start3A_161, %dma_start3A_162] : memref<800x4x100xi32, #tpu.memory_space<hbm>> -> memref<1x4x100xi32, #tpu.memory_space<hbm>>
        %dma_start3A_164 = tpu.memref_squeeze %dma_start3A_163 : memref<1x4x100xi32, #tpu.memory_space<hbm>> -> memref<4x100xi32, #tpu.memory_space<hbm>>
        tpu.enqueue_dma source(%dma_start3A_164 : memref<4x100xi32, #tpu.memory_space<hbm>>) target(%dma_start3A_160 : memref<4x100xi32, #tpu.memory_space<vmem>>) target_semaphore(%arg16 : memref<!tpu.dma_semaphore, #tpu.memory_space<semaphore_mem>>)
        %mul3A_165 = arith.constant 25 : i32
        %mul3A_166 = arith.muli %add3A, %mul3A_165 : i32
        %add3A_167 = arith.addi %mul3A_166, %add3A_39 : i32
        %add3A_168 = arith.constant 1 : i32
        %add3A_169 = arith.addi %add3A_167, %add3A_168 : i32
        %sub3A_170 = arith.constant 1 : i32
        %sub3A_171 = arith.subi %sub3A_170, %rem3A_40 : i32
        %dma_start3A_172 = arith.constant 0 : i32
        %dma_start3A_173 = arith.constant 0 : i32
        %dma_start3A_174 = tpu.memref_slice %arg8[%sub3A_171, %dma_start3A_172, %dma_start3A_173] : memref<2x4x100xi32, #tpu.memory_space<vmem>> -> memref<1x4x100xi32, #tpu.memory_space<vmem>>
        %dma_start3A_175 = tpu.memref_squeeze %dma_start3A_174 : memref<1x4x100xi32, #tpu.memory_space<vmem>> -> memref<4x100xi32, #tpu.memory_space<vmem>>
        %dma_start3A_176 = arith.constant 0 : i32
        %dma_start3A_177 = arith.constant 0 : i32
        %dma_start3A_178 = tpu.memref_slice %arg4[%add3A_169, %dma_start3A_176, %dma_start3A_177] : memref<800x4x100xi32, #tpu.memory_space<hbm>> -> memref<1x4x100xi32, #tpu.memory_space<hbm>>
        %dma_start3A_179 = tpu.memref_squeeze %dma_start3A_178 : memref<1x4x100xi32, #tpu.memory_space<hbm>> -> memref<4x100xi32, #tpu.memory_space<hbm>>
        %dma_start3A_180 = arith.constant 0 : i32
        %dma_start3A_181 = arith.constant 0 : i32
        %dma_start3A_182 = tpu.memref_slice %arg8[%sub3A_171, %dma_start3A_180, %dma_start3A_181] : memref<2x4x100xi32, #tpu.memory_space<vmem>> -> memref<1x4x100xi32, #tpu.memory_space<vmem>>
        %dma_start3A_183 = tpu.memref_squeeze %dma_start3A_182 : memref<1x4x100xi32, #tpu.memory_space<vmem>> -> memref<4x100xi32, #tpu.memory_space<vmem>>
        %dma_start3A_184 = arith.constant 0 : i32
        %dma_start3A_185 = arith.constant 0 : i32
        %dma_start3A_186 = tpu.memref_slice %arg4[%add3A_169, %dma_start3A_184, %dma_start3A_185] : memref<800x4x100xi32, #tpu.memory_space<hbm>> -> memref<1x4x100xi32, #tpu.memory_space<hbm>>
        %dma_start3A_187 = tpu.memref_squeeze %dma_start3A_186 : memref<1x4x100xi32, #tpu.memory_space<hbm>> -> memref<4x100xi32, #tpu.memory_space<hbm>>
        tpu.enqueue_dma source(%dma_start3A_187 : memref<4x100xi32, #tpu.memory_space<hbm>>) target(%dma_start3A_183 : memref<4x100xi32, #tpu.memory_space<vmem>>) target_semaphore(%arg16 : memref<!tpu.dma_semaphore, #tpu.memory_space<semaphore_mem>>)
      } else {
      }
      %dma_start3A_47 = arith.constant 1 : i32
      %dma_start3A_48 = arith.constant 0 : i32
      %dma_start3A_49 = tpu.memref_slice %arg7[%rem3A_40, %dma_start3A_47, %dma_start3A_48] : memref<2x4x100xi32, #tpu.memory_space<vmem>> -> memref<1x1x100xi32, #tpu.memory_space<vmem>>
      %dma_start3A_50 = tpu.memref_squeeze %dma_start3A_49 : memref<1x1x100xi32, #tpu.memory_space<vmem>> -> memref<100xi32, #tpu.memory_space<vmem>>
      %dma_start3A_51 = arith.constant 0 : i32
      %dma_start3A_52 = arith.constant 0 : i32
      %dma_start3A_53 = tpu.memref_slice %arg2[%dma_start3A_51, %dma_start3A_52] : memref<10000x128xf32, #tpu.memory_space<hbm>> -> memref<10000x128xf32, #tpu.memory_space<hbm>>
      tpu.enqueue_indirect_dma source(%dma_start3A_53 : memref<10000x128xf32, #tpu.memory_space<hbm>>) target(%arg10 : memref<100x128xf32, #tpu.memory_space<vmem>>) offsets(%dma_start3A_50 : memref<100xi32, #tpu.memory_space<vmem>>) semaphore(%arg13 : memref<!tpu.dma_semaphore, #tpu.memory_space<semaphore_mem>>)
      %dma_wait3A_54 = arith.constant 0 : i32
      %dma_wait3A_55 = arith.constant 0 : i32
      %dma_wait3A_56 = tpu.memref_slice %arg7[%rem3A_40, %dma_wait3A_54, %dma_wait3A_55] : memref<2x4x100xi32, #tpu.memory_space<vmem>> -> memref<1x1x100xi32, #tpu.memory_space<vmem>>
      %dma_wait3A_57 = tpu.memref_squeeze %dma_wait3A_56 : memref<1x1x100xi32, #tpu.memory_space<vmem>> -> memref<100xi32, #tpu.memory_space<vmem>>
      %dma_wait3A_58 = arith.constant 0 : i32
      %dma_wait3A_59 = arith.constant 0 : i32
      %dma_wait3A_60 = tpu.memref_slice %arg2[%dma_wait3A_58, %dma_wait3A_59] : memref<10000x128xf32, #tpu.memory_space<hbm>> -> memref<10000x128xf32, #tpu.memory_space<hbm>>
      tpu.wait_indirect_dma semaphore(%arg12 : memref<!tpu.dma_semaphore, #tpu.memory_space<semaphore_mem>>) src(%dma_wait3A_60 : memref<10000x128xf32, #tpu.memory_space<hbm>>) dst(%arg9 : memref<100x128xf32, #tpu.memory_space<vmem>>)
      %dma_start3A_61 = arith.constant 0 : i32
      %dma_start3A_62 = arith.constant 0 : i32
      %dma_start3A_63 = tpu.memref_slice %arg8[%rem3A_40, %dma_start3A_61, %dma_start3A_62] : memref<2x4x100xi32, #tpu.memory_space<vmem>> -> memref<1x1x100xi32, #tpu.memory_space<vmem>>
      %dma_start3A_64 = tpu.memref_squeeze %dma_start3A_63 : memref<1x1x100xi32, #tpu.memory_space<vmem>> -> memref<100xi32, #tpu.memory_space<vmem>>
      %dma_start3A_65 = arith.constant 0 : i32
      %dma_start3A_66 = arith.constant 0 : i32
      %dma_start3A_67 = tpu.memref_slice %arg11[%dma_start3A_65, %dma_start3A_66] : memref<10240x128xf32, #tpu.memory_space<vmem_shared>> -> memref<10240x128xf32, #tpu.memory_space<vmem_shared>>
      tpu.enqueue_indirect_dma source(%arg9 : memref<100x128xf32, #tpu.memory_space<vmem>>) target(%dma_start3A_67 : memref<10240x128xf32, #tpu.memory_space<vmem_shared>>) offsets(%dma_start3A_64 : memref<100xi32, #tpu.memory_space<vmem>>) semaphore(%arg14 : memref<!tpu.dma_semaphore, #tpu.memory_space<semaphore_mem>>) {add = true}
      %dma_wait3A_68 = arith.constant 0 : i32
      %dma_wait3A_69 = arith.constant 0 : i32
      %dma_wait3A_70 = tpu.memref_slice %arg8[%rem3A_40, %dma_wait3A_68, %dma_wait3A_69] : memref<2x4x100xi32, #tpu.memory_space<vmem>> -> memref<1x1x100xi32, #tpu.memory_space<vmem>>
      %dma_wait3A_71 = tpu.memref_squeeze %dma_wait3A_70 : memref<1x1x100xi32, #tpu.memory_space<vmem>> -> memref<100xi32, #tpu.memory_space<vmem>>
      %dma_wait3A_72 = arith.constant 0 : i32
      %dma_wait3A_73 = arith.constant 0 : i32
      %dma_wait3A_74 = tpu.memref_slice %arg11[%dma_wait3A_72, %dma_wait3A_73] : memref<10240x128xf32, #tpu.memory_space<vmem_shared>> -> memref<10240x128xf32, #tpu.memory_space<vmem_shared>>
      tpu.wait_indirect_dma semaphore(%arg14 : memref<!tpu.dma_semaphore, #tpu.memory_space<semaphore_mem>>) src(%arg9 : memref<100x128xf32, #tpu.memory_space<vmem>>) dst(%dma_wait3A_74 : memref<10240x128xf32, #tpu.memory_space<vmem_shared>>)
      %dma_start3A_75 = arith.constant 2 : i32
      %dma_start3A_76 = arith.constant 0 : i32
      %dma_start3A_77 = tpu.memref_slice %arg7[%rem3A_40, %dma_start3A_75, %dma_start3A_76] : memref<2x4x100xi32, #tpu.memory_space<vmem>> -> memref<1x1x100xi32, #tpu.memory_space<vmem>>
      %dma_start3A_78 = tpu.memref_squeeze %dma_start3A_77 : memref<1x1x100xi32, #tpu.memory_space<vmem>> -> memref<100xi32, #tpu.memory_space<vmem>>
      %dma_start3A_79 = arith.constant 0 : i32
      %dma_start3A_80 = arith.constant 0 : i32
      %dma_start3A_81 = tpu.memref_slice %arg2[%dma_start3A_79, %dma_start3A_80] : memref<10000x128xf32, #tpu.memory_space<hbm>> -> memref<10000x128xf32, #tpu.memory_space<hbm>>
      tpu.enqueue_indirect_dma source(%dma_start3A_81 : memref<10000x128xf32, #tpu.memory_space<hbm>>) target(%arg9 : memref<100x128xf32, #tpu.memory_space<vmem>>) offsets(%dma_start3A_78 : memref<100xi32, #tpu.memory_space<vmem>>) semaphore(%arg12 : memref<!tpu.dma_semaphore, #tpu.memory_space<semaphore_mem>>)
      %dma_wait3A_82 = arith.constant 1 : i32
      %dma_wait3A_83 = arith.constant 0 : i32
      %dma_wait3A_84 = tpu.memref_slice %arg7[%rem3A_40, %dma_wait3A_82, %dma_wait3A_83] : memref<2x4x100xi32, #tpu.memory_space<vmem>> -> memref<1x1x100xi32, #tpu.memory_space<vmem>>
      %dma_wait3A_85 = tpu.memref_squeeze %dma_wait3A_84 : memref<1x1x100xi32, #tpu.memory_space<vmem>> -> memref<100xi32, #tpu.memory_space<vmem>>
      %dma_wait3A_86 = arith.constant 0 : i32
      %dma_wait3A_87 = arith.constant 0 : i32
      %dma_wait3A_88 = tpu.memref_slice %arg2[%dma_wait3A_86, %dma_wait3A_87] : memref<10000x128xf32, #tpu.memory_space<hbm>> -> memref<10000x128xf32, #tpu.memory_space<hbm>>
      tpu.wait_indirect_dma semaphore(%arg13 : memref<!tpu.dma_semaphore, #tpu.memory_space<semaphore_mem>>) src(%dma_wait3A_88 : memref<10000x128xf32, #tpu.memory_space<hbm>>) dst(%arg10 : memref<100x128xf32, #tpu.memory_space<vmem>>)
      %dma_start3A_89 = arith.constant 1 : i32
      %dma_start3A_90 = arith.constant 0 : i32
      %dma_start3A_91 = tpu.memref_slice %arg8[%rem3A_40, %dma_start3A_89, %dma_start3A_90] : memref<2x4x100xi32, #tpu.memory_space<vmem>> -> memref<1x1x100xi32, #tpu.memory_space<vmem>>
      %dma_start3A_92 = tpu.memref_squeeze %dma_start3A_91 : memref<1x1x100xi32, #tpu.memory_space<vmem>> -> memref<100xi32, #tpu.memory_space<vmem>>
      %dma_start3A_93 = arith.constant 0 : i32
      %dma_start3A_94 = arith.constant 0 : i32
      %dma_start3A_95 = tpu.memref_slice %arg11[%dma_start3A_93, %dma_start3A_94] : memref<10240x128xf32, #tpu.memory_space<vmem_shared>> -> memref<10240x128xf32, #tpu.memory_space<vmem_shared>>
      tpu.enqueue_indirect_dma source(%arg10 : memref<100x128xf32, #tpu.memory_space<vmem>>) target(%dma_start3A_95 : memref<10240x128xf32, #tpu.memory_space<vmem_shared>>) offsets(%dma_start3A_92 : memref<100xi32, #tpu.memory_space<vmem>>) semaphore(%arg15 : memref<!tpu.dma_semaphore, #tpu.memory_space<semaphore_mem>>) {add = true}
      %dma_wait3A_96 = arith.constant 1 : i32
      %dma_wait3A_97 = arith.constant 0 : i32
      %dma_wait3A_98 = tpu.memref_slice %arg8[%rem3A_40, %dma_wait3A_96, %dma_wait3A_97] : memref<2x4x100xi32, #tpu.memory_space<vmem>> -> memref<1x1x100xi32, #tpu.memory_space<vmem>>
      %dma_wait3A_99 = tpu.memref_squeeze %dma_wait3A_98 : memref<1x1x100xi32, #tpu.memory_space<vmem>> -> memref<100xi32, #tpu.memory_space<vmem>>
      %dma_wait3A_100 = arith.constant 0 : i32
      %dma_wait3A_101 = arith.constant 0 : i32
      %dma_wait3A_102 = tpu.memref_slice %arg11[%dma_wait3A_100, %dma_wait3A_101] : memref<10240x128xf32, #tpu.memory_space<vmem_shared>> -> memref<10240x128xf32, #tpu.memory_space<vmem_shared>>
      tpu.wait_indirect_dma semaphore(%arg15 : memref<!tpu.dma_semaphore, #tpu.memory_space<semaphore_mem>>) src(%arg10 : memref<100x128xf32, #tpu.memory_space<vmem>>) dst(%dma_wait3A_102 : memref<10240x128xf32, #tpu.memory_space<vmem_shared>>)
      %dma_start3A_103 = arith.constant 3 : i32
      %dma_start3A_104 = arith.constant 0 : i32
      %dma_start3A_105 = tpu.memref_slice %arg7[%rem3A_40, %dma_start3A_103, %dma_start3A_104] : memref<2x4x100xi32, #tpu.memory_space<vmem>> -> memref<1x1x100xi32, #tpu.memory_space<vmem>>
      %dma_start3A_106 = tpu.memref_squeeze %dma_start3A_105 : memref<1x1x100xi32, #tpu.memory_space<vmem>> -> memref<100xi32, #tpu.memory_space<vmem>>
      %dma_start3A_107 = arith.constant 0 : i32
      %dma_start3A_108 = arith.constant 0 : i32
      %dma_start3A_109 = tpu.memref_slice %arg2[%dma_start3A_107, %dma_start3A_108] : memref<10000x128xf32, #tpu.memory_space<hbm>> -> memref<10000x128xf32, #tpu.memory_space<hbm>>
      tpu.enqueue_indirect_dma source(%dma_start3A_109 : memref<10000x128xf32, #tpu.memory_space<hbm>>) target(%arg10 : memref<100x128xf32, #tpu.memory_space<vmem>>) offsets(%dma_start3A_106 : memref<100xi32, #tpu.memory_space<vmem>>) semaphore(%arg13 : memref<!tpu.dma_semaphore, #tpu.memory_space<semaphore_mem>>)
      %dma_wait3A_110 = arith.constant 2 : i32
      %dma_wait3A_111 = arith.constant 0 : i32
      %dma_wait3A_112 = tpu.memref_slice %arg7[%rem3A_40, %dma_wait3A_110, %dma_wait3A_111] : memref<2x4x100xi32, #tpu.memory_space<vmem>> -> memref<1x1x100xi32, #tpu.memory_space<vmem>>
      %dma_wait3A_113 = tpu.memref_squeeze %dma_wait3A_112 : memref<1x1x100xi32, #tpu.memory_space<vmem>> -> memref<100xi32, #tpu.memory_space<vmem>>
      %dma_wait3A_114 = arith.constant 0 : i32
      %dma_wait3A_115 = arith.constant 0 : i32
      %dma_wait3A_116 = tpu.memref_slice %arg2[%dma_wait3A_114, %dma_wait3A_115] : memref<10000x128xf32, #tpu.memory_space<hbm>> -> memref<10000x128xf32, #tpu.memory_space<hbm>>
      tpu.wait_indirect_dma semaphore(%arg12 : memref<!tpu.dma_semaphore, #tpu.memory_space<semaphore_mem>>) src(%dma_wait3A_116 : memref<10000x128xf32, #tpu.memory_space<hbm>>) dst(%arg9 : memref<100x128xf32, #tpu.memory_space<vmem>>)
      %dma_start3A_117 = arith.constant 2 : i32
      %dma_start3A_118 = arith.constant 0 : i32
      %dma_start3A_119 = tpu.memref_slice %arg8[%rem3A_40, %dma_start3A_117, %dma_start3A_118] : memref<2x4x100xi32, #tpu.memory_space<vmem>> -> memref<1x1x100xi32, #tpu.memory_space<vmem>>
      %dma_start3A_120 = tpu.memref_squeeze %dma_start3A_119 : memref<1x1x100xi32, #tpu.memory_space<vmem>> -> memref<100xi32, #tpu.memory_space<vmem>>
      %dma_start3A_121 = arith.constant 0 : i32
      %dma_start3A_122 = arith.constant 0 : i32
      %dma_start3A_123 = tpu.memref_slice %arg11[%dma_start3A_121, %dma_start3A_122] : memref<10240x128xf32, #tpu.memory_space<vmem_shared>> -> memref<10240x128xf32, #tpu.memory_space<vmem_shared>>
      tpu.enqueue_indirect_dma source(%arg9 : memref<100x128xf32, #tpu.memory_space<vmem>>) target(%dma_start3A_123 : memref<10240x128xf32, #tpu.memory_space<vmem_shared>>) offsets(%dma_start3A_120 : memref<100xi32, #tpu.memory_space<vmem>>) semaphore(%arg14 : memref<!tpu.dma_semaphore, #tpu.memory_space<semaphore_mem>>) {add = true}
      %lt3A_124 = arith.constant 24 : i32
      %lt3A_125 = arith.cmpi slt, %add3A_39, %lt3A_124 : i32
      %convert_element_type3A_126 = arith.extui %lt3A_125 : i1 to i32
      %cond3A_127 = arith.constant 0 : i32
      %cond3A_128 = arith.cmpi ne, %convert_element_type3A_126, %cond3A_127 : i32
      scf.if %cond3A_128 {
        %dma_wait3A_143 = arith.constant 2 : i32
        %dma_wait3A_144 = arith.constant 0 : i32
        %dma_wait3A_145 = tpu.memref_slice %arg8[%rem3A_40, %dma_wait3A_143, %dma_wait3A_144] : memref<2x4x100xi32, #tpu.memory_space<vmem>> -> memref<1x1x100xi32, #tpu.memory_space<vmem>>
        %dma_wait3A_146 = tpu.memref_squeeze %dma_wait3A_145 : memref<1x1x100xi32, #tpu.memory_space<vmem>> -> memref<100xi32, #tpu.memory_space<vmem>>
        %dma_wait3A_147 = arith.constant 0 : i32
        %dma_wait3A_148 = arith.constant 0 : i32
        %dma_wait3A_149 = tpu.memref_slice %arg11[%dma_wait3A_147, %dma_wait3A_148] : memref<10240x128xf32, #tpu.memory_space<vmem_shared>> -> memref<10240x128xf32, #tpu.memory_space<vmem_shared>>
        tpu.wait_indirect_dma semaphore(%arg14 : memref<!tpu.dma_semaphore, #tpu.memory_space<semaphore_mem>>) src(%arg9 : memref<100x128xf32, #tpu.memory_space<vmem>>) dst(%dma_wait3A_149 : memref<10240x128xf32, #tpu.memory_space<vmem_shared>>)
        %mul3A_150 = arith.constant 25 : i32
        %mul3A_151 = arith.muli %add3A, %mul3A_150 : i32
        %add3A_152 = arith.addi %mul3A_151, %add3A_39 : i32
        %add3A_153 = arith.constant 1 : i32
        %add3A_154 = arith.addi %add3A_152, %add3A_153 : i32
        %sub3A = arith.constant 1 : i32
        %sub3A_155 = arith.subi %sub3A, %rem3A_40 : i32
        %dma_wait3A_156 = arith.constant 0 : i32
        %dma_wait3A_157 = arith.constant 0 : i32
        %dma_wait3A_158 = tpu.memref_slice %arg7[%sub3A_155, %dma_wait3A_156, %dma_wait3A_157] : memref<2x4x100xi32, #tpu.memory_space<vmem>> -> memref<1x4x100xi32, #tpu.memory_space<vmem>>
        %dma_wait3A_159 = tpu.memref_squeeze %dma_wait3A_158 : memref<1x4x100xi32, #tpu.memory_space<vmem>> -> memref<4x100xi32, #tpu.memory_space<vmem>>
        %dma_wait3A_160 = arith.constant 0 : i32
        %dma_wait3A_161 = arith.constant 0 : i32
        %dma_wait3A_162 = tpu.memref_slice %arg3[%add3A_154, %dma_wait3A_160, %dma_wait3A_161] : memref<800x4x100xi32, #tpu.memory_space<hbm>> -> memref<1x4x100xi32, #tpu.memory_space<hbm>>
        %dma_wait3A_163 = tpu.memref_squeeze %dma_wait3A_162 : memref<1x4x100xi32, #tpu.memory_space<hbm>> -> memref<4x100xi32, #tpu.memory_space<hbm>>
        %dma_wait3A_164 = arith.constant 0 : i32
        %dma_wait3A_165 = arith.constant 0 : i32
        %dma_wait3A_166 = tpu.memref_slice %arg7[%sub3A_155, %dma_wait3A_164, %dma_wait3A_165] : memref<2x4x100xi32, #tpu.memory_space<vmem>> -> memref<1x4x100xi32, #tpu.memory_space<vmem>>
        %dma_wait3A_167 = tpu.memref_squeeze %dma_wait3A_166 : memref<1x4x100xi32, #tpu.memory_space<vmem>> -> memref<4x100xi32, #tpu.memory_space<vmem>>
        %dma_wait3A_168 = arith.constant 0 : i32
        %dma_wait3A_169 = arith.constant 0 : i32
        %dma_wait3A_170 = tpu.memref_slice %arg3[%add3A_154, %dma_wait3A_168, %dma_wait3A_169] : memref<800x4x100xi32, #tpu.memory_space<hbm>> -> memref<1x4x100xi32, #tpu.memory_space<hbm>>
        %dma_wait3A_171 = tpu.memref_squeeze %dma_wait3A_170 : memref<1x4x100xi32, #tpu.memory_space<hbm>> -> memref<4x100xi32, #tpu.memory_space<hbm>>
        tpu.wait_dma2 semaphore(%arg16 : memref<!tpu.dma_semaphore, #tpu.memory_space<semaphore_mem>>) src(%dma_wait3A_171 : memref<4x100xi32, #tpu.memory_space<hbm>>) dst(%dma_wait3A_167 : memref<4x100xi32, #tpu.memory_space<vmem>>)
        %mul3A_172 = arith.constant 25 : i32
        %mul3A_173 = arith.muli %add3A, %mul3A_172 : i32
        %add3A_174 = arith.addi %mul3A_173, %add3A_39 : i32
        %add3A_175 = arith.constant 1 : i32
        %add3A_176 = arith.addi %add3A_174, %add3A_175 : i32
        %sub3A_177 = arith.constant 1 : i32
        %sub3A_178 = arith.subi %sub3A_177, %rem3A_40 : i32
        %dma_wait3A_179 = arith.constant 0 : i32
        %dma_wait3A_180 = arith.constant 0 : i32
        %dma_wait3A_181 = tpu.memref_slice %arg8[%sub3A_178, %dma_wait3A_179, %dma_wait3A_180] : memref<2x4x100xi32, #tpu.memory_space<vmem>> -> memref<1x4x100xi32, #tpu.memory_space<vmem>>
        %dma_wait3A_182 = tpu.memref_squeeze %dma_wait3A_181 : memref<1x4x100xi32, #tpu.memory_space<vmem>> -> memref<4x100xi32, #tpu.memory_space<vmem>>
        %dma_wait3A_183 = arith.constant 0 : i32
        %dma_wait3A_184 = arith.constant 0 : i32
        %dma_wait3A_185 = tpu.memref_slice %arg4[%add3A_176, %dma_wait3A_183, %dma_wait3A_184] : memref<800x4x100xi32, #tpu.memory_space<hbm>> -> memref<1x4x100xi32, #tpu.memory_space<hbm>>
        %dma_wait3A_186 = tpu.memref_squeeze %dma_wait3A_185 : memref<1x4x100xi32, #tpu.memory_space<hbm>> -> memref<4x100xi32, #tpu.memory_space<hbm>>
        %dma_wait3A_187 = arith.constant 0 : i32
        %dma_wait3A_188 = arith.constant 0 : i32
        %dma_wait3A_189 = tpu.memref_slice %arg8[%sub3A_178, %dma_wait3A_187, %dma_wait3A_188] : memref<2x4x100xi32, #tpu.memory_space<vmem>> -> memref<1x4x100xi32, #tpu.memory_space<vmem>>
        %dma_wait3A_190 = tpu.memref_squeeze %dma_wait3A_189 : memref<1x4x100xi32, #tpu.memory_space<vmem>> -> memref<4x100xi32, #tpu.memory_space<vmem>>
        %dma_wait3A_191 = arith.constant 0 : i32
        %dma_wait3A_192 = arith.constant 0 : i32
        %dma_wait3A_193 = tpu.memref_slice %arg4[%add3A_176, %dma_wait3A_191, %dma_wait3A_192] : memref<800x4x100xi32, #tpu.memory_space<hbm>> -> memref<1x4x100xi32, #tpu.memory_space<hbm>>
        %dma_wait3A_194 = tpu.memref_squeeze %dma_wait3A_193 : memref<1x4x100xi32, #tpu.memory_space<hbm>> -> memref<4x100xi32, #tpu.memory_space<hbm>>
        tpu.wait_dma2 semaphore(%arg16 : memref<!tpu.dma_semaphore, #tpu.memory_space<semaphore_mem>>) src(%dma_wait3A_194 : memref<4x100xi32, #tpu.memory_space<hbm>>) dst(%dma_wait3A_190 : memref<4x100xi32, #tpu.memory_space<vmem>>)
        %sub3A_195 = arith.constant 1 : i32
        %sub3A_196 = arith.subi %sub3A_195, %rem3A_40 : i32
        %dma_start3A_197 = arith.constant 0 : i32
        %dma_start3A_198 = arith.constant 0 : i32
        %dma_start3A_199 = tpu.memref_slice %arg7[%sub3A_196, %dma_start3A_197, %dma_start3A_198] : memref<2x4x100xi32, #tpu.memory_space<vmem>> -> memref<1x1x100xi32, #tpu.memory_space<vmem>>
        %dma_start3A_200 = tpu.memref_squeeze %dma_start3A_199 : memref<1x1x100xi32, #tpu.memory_space<vmem>> -> memref<100xi32, #tpu.memory_space<vmem>>
        %dma_start3A_201 = arith.constant 0 : i32
        %dma_start3A_202 = arith.constant 0 : i32
        %dma_start3A_203 = tpu.memref_slice %arg2[%dma_start3A_201, %dma_start3A_202] : memref<10000x128xf32, #tpu.memory_space<hbm>> -> memref<10000x128xf32, #tpu.memory_space<hbm>>
        tpu.enqueue_indirect_dma source(%dma_start3A_203 : memref<10000x128xf32, #tpu.memory_space<hbm>>) target(%arg9 : memref<100x128xf32, #tpu.memory_space<vmem>>) offsets(%dma_start3A_200 : memref<100xi32, #tpu.memory_space<vmem>>) semaphore(%arg12 : memref<!tpu.dma_semaphore, #tpu.memory_space<semaphore_mem>>)
      } else {
      }
      %dma_wait3A_129 = arith.constant 3 : i32
      %dma_wait3A_130 = arith.constant 0 : i32
      %dma_wait3A_131 = tpu.memref_slice %arg7[%rem3A_40, %dma_wait3A_129, %dma_wait3A_130] : memref<2x4x100xi32, #tpu.memory_space<vmem>> -> memref<1x1x100xi32, #tpu.memory_space<vmem>>
      %dma_wait3A_132 = tpu.memref_squeeze %dma_wait3A_131 : memref<1x1x100xi32, #tpu.memory_space<vmem>> -> memref<100xi32, #tpu.memory_space<vmem>>
      %dma_wait3A_133 = arith.constant 0 : i32
      %dma_wait3A_134 = arith.constant 0 : i32
      %dma_wait3A_135 = tpu.memref_slice %arg2[%dma_wait3A_133, %dma_wait3A_134] : memref<10000x128xf32, #tpu.memory_space<hbm>> -> memref<10000x128xf32, #tpu.memory_space<hbm>>
      tpu.wait_indirect_dma semaphore(%arg13 : memref<!tpu.dma_semaphore, #tpu.memory_space<semaphore_mem>>) src(%dma_wait3A_135 : memref<10000x128xf32, #tpu.memory_space<hbm>>) dst(%arg10 : memref<100x128xf32, #tpu.memory_space<vmem>>)
      %dma_start3A_136 = arith.constant 3 : i32
      %dma_start3A_137 = arith.constant 0 : i32
      %dma_start3A_138 = tpu.memref_slice %arg8[%rem3A_40, %dma_start3A_136, %dma_start3A_137] : memref<2x4x100xi32, #tpu.memory_space<vmem>> -> memref<1x1x100xi32, #tpu.memory_space<vmem>>
      %dma_start3A_139 = tpu.memref_squeeze %dma_start3A_138 : memref<1x1x100xi32, #tpu.memory_space<vmem>> -> memref<100xi32, #tpu.memory_space<vmem>>
      %dma_start3A_140 = arith.constant 0 : i32
      %dma_start3A_141 = arith.constant 0 : i32
      %dma_start3A_142 = tpu.memref_slice %arg11[%dma_start3A_140, %dma_start3A_141] : memref<10240x128xf32, #tpu.memory_space<vmem_shared>> -> memref<10240x128xf32, #tpu.memory_space<vmem_shared>>
      tpu.enqueue_indirect_dma source(%arg10 : memref<100x128xf32, #tpu.memory_space<vmem>>) target(%dma_start3A_142 : memref<10240x128xf32, #tpu.memory_space<vmem_shared>>) offsets(%dma_start3A_139 : memref<100xi32, #tpu.memory_space<vmem>>) semaphore(%arg15 : memref<!tpu.dma_semaphore, #tpu.memory_space<semaphore_mem>>) {add = true}
    }
    %scan3A_18 = arith.constant 25 : i32
    %dma_wait3A = arith.constant 0 : i32
    %dma_wait3A_19 = arith.constant 2 : i32
    %dma_wait3A_20 = arith.constant 0 : i32
    %dma_wait3A_21 = tpu.memref_slice %arg8[%dma_wait3A, %dma_wait3A_19, %dma_wait3A_20] : memref<2x4x100xi32, #tpu.memory_space<vmem>> -> memref<1x1x100xi32, #tpu.memory_space<vmem>>
    %dma_wait3A_22 = tpu.memref_squeeze %dma_wait3A_21 : memref<1x1x100xi32, #tpu.memory_space<vmem>> -> memref<100xi32, #tpu.memory_space<vmem>>
    %dma_wait3A_23 = arith.constant 0 : i32
    %dma_wait3A_24 = arith.constant 0 : i32
    %dma_wait3A_25 = tpu.memref_slice %arg11[%dma_wait3A_23, %dma_wait3A_24] : memref<10240x128xf32, #tpu.memory_space<vmem_shared>> -> memref<10240x128xf32, #tpu.memory_space<vmem_shared>>
    tpu.wait_indirect_dma semaphore(%arg14 : memref<!tpu.dma_semaphore, #tpu.memory_space<semaphore_mem>>) src(%arg9 : memref<100x128xf32, #tpu.memory_space<vmem>>) dst(%dma_wait3A_25 : memref<10240x128xf32, #tpu.memory_space<vmem_shared>>)
    %dma_wait3A_26 = arith.constant 0 : i32
    %dma_wait3A_27 = arith.constant 3 : i32
    %dma_wait3A_28 = arith.constant 0 : i32
    %dma_wait3A_29 = tpu.memref_slice %arg8[%dma_wait3A_26, %dma_wait3A_27, %dma_wait3A_28] : memref<2x4x100xi32, #tpu.memory_space<vmem>> -> memref<1x1x100xi32, #tpu.memory_space<vmem>>
    %dma_wait3A_30 = tpu.memref_squeeze %dma_wait3A_29 : memref<1x1x100xi32, #tpu.memory_space<vmem>> -> memref<100xi32, #tpu.memory_space<vmem>>
    %dma_wait3A_31 = arith.constant 0 : i32
    %dma_wait3A_32 = arith.constant 0 : i32
    %dma_wait3A_33 = tpu.memref_slice %arg11[%dma_wait3A_31, %dma_wait3A_32] : memref<10240x128xf32, #tpu.memory_space<vmem_shared>> -> memref<10240x128xf32, #tpu.memory_space<vmem_shared>>
    tpu.wait_indirect_dma semaphore(%arg15 : memref<!tpu.dma_semaphore, #tpu.memory_space<semaphore_mem>>) src(%arg10 : memref<100x128xf32, #tpu.memory_space<vmem>>) dst(%dma_wait3A_33 : memref<10240x128xf32, #tpu.memory_space<vmem_shared>>)
    %barrier3A_34 = arith.constant 0 : index
    tpu.barrier barrier_id(%barrier3A_34)
    "tpu.region"() ({
      %run_scoped3A_35 = tpu.sem_alloc : memref<!tpu.dma_semaphore, #tpu.memory_space<semaphore_mem>>
      %dma_start3A_36 = arith.constant 0 : i32
      %dma_start3A_37 = arith.constant 0 : i32
      %dma_start3A_38 = tpu.memref_slice %arg6[%arg0, %dma_start3A_36, %dma_start3A_37] : memref<2x10240x128xf32, #tpu.memory_space<hbm>> -> memref<1x10240x128xf32, #tpu.memory_space<hbm>>
      %dma_start3A_39 = tpu.memref_squeeze %dma_start3A_38 : memref<1x10240x128xf32, #tpu.memory_space<hbm>> -> memref<10240x128xf32, #tpu.memory_space<hbm>>
      %dma_start3A_40 = arith.constant 0 : i32
      %dma_start3A_41 = tpu.memref_slice %dma_start3A_39[%mul3A_2, %dma_start3A_40] : memref<10240x128xf32, #tpu.memory_space<hbm>> -> memref<640x128xf32, #tpu.memory_space<hbm>>
      %dma_start3A_42 = arith.constant 0 : i32
      %dma_start3A_43 = tpu.memref_slice %arg11[%mul3A_2, %dma_start3A_42] : memref<10240x128xf32, #tpu.memory_space<vmem_shared>> -> memref<640x128xf32, #tpu.memory_space<vmem_shared>>
      tpu.enqueue_dma source(%dma_start3A_43 : memref<640x128xf32, #tpu.memory_space<vmem_shared>>) target(%dma_start3A_41 : memref<640x128xf32, #tpu.memory_space<hbm>>) target_semaphore(%run_scoped3A_35 : memref<!tpu.dma_semaphore, #tpu.memory_space<semaphore_mem>>)
      %dma_wait3A_44 = arith.constant 0 : i32
      %dma_wait3A_45 = arith.constant 0 : i32
      %dma_wait3A_46 = tpu.memref_slice %arg6[%arg0, %dma_wait3A_44, %dma_wait3A_45] : memref<2x10240x128xf32, #tpu.memory_space<hbm>> -> memref<1x10240x128xf32, #tpu.memory_space<hbm>>
      %dma_wait3A_47 = tpu.memref_squeeze %dma_wait3A_46 : memref<1x10240x128xf32, #tpu.memory_space<hbm>> -> memref<10240x128xf32, #tpu.memory_space<hbm>>
      %dma_wait3A_48 = arith.constant 0 : i32
      %dma_wait3A_49 = tpu.memref_slice %dma_wait3A_47[%mul3A_2, %dma_wait3A_48] : memref<10240x128xf32, #tpu.memory_space<hbm>> -> memref<640x128xf32, #tpu.memory_space<hbm>>
      %dma_wait3A_50 = arith.constant 0 : i32
      %dma_wait3A_51 = tpu.memref_slice %arg11[%mul3A_2, %dma_wait3A_50] : memref<10240x128xf32, #tpu.memory_space<vmem_shared>> -> memref<640x128xf32, #tpu.memory_space<vmem_shared>>
      tpu.wait_dma2 semaphore(%run_scoped3A_35 : memref<!tpu.dma_semaphore, #tpu.memory_space<semaphore_mem>>) src(%dma_wait3A_51 : memref<640x128xf32, #tpu.memory_space<vmem_shared>>) dst(%dma_wait3A_49 : memref<640x128xf32, #tpu.memory_space<hbm>>)
      tpu.yield
    }) : () -> ()
    return
  }
}

module attributes {stable_mosaic.version = 14 : i64} {
  func.func @_dense_kernel(%arg0: i32, %arg1: memref<2000x128xf32, #tpu.memory_space<vmem>>, %arg2: memref<1x2000x128xf32, #tpu.memory_space<vmem>>, %arg3: memref<1x2000x128xf32, #tpu.memory_space<vmem>>, %arg4: memref<128x128xf32, #tpu.memory_space<vmem>>, %arg5: memref<128x128xf32, #tpu.memory_space<vmem>>, %arg6: memref<1x128xf32, #tpu.memory_space<vmem>>, %arg7: memref<2000x128xf32, #tpu.memory_space<vmem>>) attributes {dimension_semantics = [#tpu.dimension_semantics<arbitrary>], iteration_bounds = array<i64: 5>, scalar_prefetch = 0 : i64, scratch_operands = 0 : i64, tpu.core_type = #tpu.core_type<tc>, window_params = [{transform_indices = @transform_0, window_bounds = array<i64: 2000, 128>}, {transform_indices = @transform_1, window_bounds = array<i64: 1, 2000, 128>}, {transform_indices = @transform_2, window_bounds = array<i64: 1, 2000, 128>}, {pipeline_mode = #tpu.pipeline_mode<synchronous>, transform_indices = @transform_3, window_bounds = array<i64: 128, 128>}, {pipeline_mode = #tpu.pipeline_mode<synchronous>, transform_indices = @transform_4, window_bounds = array<i64: 128, 128>}, {pipeline_mode = #tpu.pipeline_mode<synchronous>, transform_indices = @transform_5, window_bounds = array<i64: 1, 128>}, {transform_indices = @transform_6, window_bounds = array<i64: 2000, 128>}]} {
    %get3A = arith.constant 0 : index
    %get3A_0 = arith.constant 0 : index
    %get3A_1 = arith.constant 0 : index
    %get3A_2 = vector.load %arg2[%get3A, %get3A_0, %get3A_1] : memref<1x2000x128xf32, #tpu.memory_space<vmem>>, vector<1x2000x128xf32>
    %get3A_3 = vector.shape_cast %get3A_2 : vector<1x2000x128xf32> to vector<2000x128xf32>
    %get3A_4 = arith.constant 0 : index
    %get3A_5 = arith.constant 0 : index
    %get3A_6 = arith.constant 0 : index
    %get3A_7 = vector.load %arg3[%get3A_4, %get3A_5, %get3A_6] : memref<1x2000x128xf32, #tpu.memory_space<vmem>>, vector<1x2000x128xf32>
    %get3A_8 = vector.shape_cast %get3A_7 : vector<1x2000x128xf32> to vector<2000x128xf32>
    %add3A = arith.addf %get3A_3, %get3A_8 : vector<2000x128xf32>
    %get3A_9 = arith.constant 0 : index
    %get3A_10 = arith.constant 0 : index
    %get3A_11 = vector.load %arg1[%get3A_9, %get3A_10] : memref<2000x128xf32, #tpu.memory_space<vmem>>, vector<2000x128xf32>
    %get3A_12 = arith.constant 0 : index
    %get3A_13 = arith.constant 0 : index
    %get3A_14 = vector.load %arg4[%get3A_12, %get3A_13] : memref<128x128xf32, #tpu.memory_space<vmem>>, vector<128x128xf32>
    %dot_general3A = arith.constant dense<0.000000e+00> : vector<2000x128xf32>
    %dot_general3A_15 = tpu.matmul %get3A_11, %get3A_14, %dot_general3A {dimension_numbers = #tpu.dot_dimension_numbers<[1], [0], [0], [1], [0, 0, 1, 1], [], []>, transpose_lhs_hint = false} : vector<2000x128xf32>, vector<128x128xf32>, vector<2000x128xf32> -> vector<2000x128xf32>
    %get3A_16 = arith.constant 0 : index
    %get3A_17 = arith.constant 0 : index
    %get3A_18 = vector.load %arg5[%get3A_16, %get3A_17] : memref<128x128xf32, #tpu.memory_space<vmem>>, vector<128x128xf32>
    %dot_general3A_19 = arith.constant dense<0.000000e+00> : vector<2000x128xf32>
    %dot_general3A_20 = tpu.matmul %add3A, %get3A_18, %dot_general3A_19 {dimension_numbers = #tpu.dot_dimension_numbers<[1], [0], [0], [1], [0, 0, 1, 1], [], []>, transpose_lhs_hint = false} : vector<2000x128xf32>, vector<128x128xf32>, vector<2000x128xf32> -> vector<2000x128xf32>
    %add3A_21 = arith.addf %dot_general3A_15, %dot_general3A_20 : vector<2000x128xf32>
    %get3A_22 = arith.constant 0 : index
    %get3A_23 = arith.constant 0 : index
    %get3A_24 = vector.load %arg6[%get3A_22, %get3A_23] : memref<1x128xf32, #tpu.memory_space<vmem>>, vector<1x128xf32>
    %add3A_25 = vector.broadcast %get3A_24 : vector<1x128xf32> to vector<2000x128xf32>
    %add3A_26 = arith.addf %add3A_21, %add3A_25 : vector<2000x128xf32>
    %max3A = arith.constant 0.000000e+00 : f32
    %max3A_27 = vector.broadcast %max3A : f32 to vector<2000x128xf32>
    %max3A_28 = arith.maximumf %add3A_26, %max3A_27 : vector<2000x128xf32>
    %swap3A = arith.constant 0 : index
    %swap3A_29 = arith.constant 0 : index
    %swap3A_30 = vector.load %arg7[%swap3A, %swap3A_29] : memref<2000x128xf32, #tpu.memory_space<vmem>>, vector<2000x128xf32>
    tpu.vector_store %arg7[%swap3A, %swap3A_29], %max3A_28 {strides = array<i32>} : memref<2000x128xf32, #tpu.memory_space<vmem>>, vector<2000x128xf32>,
    return
  }
  func.func @transform_0(%arg0: i32) -> (i32, i32) {
    %c0_i32 = arith.constant 0 : i32
    %c0_i32_0 = arith.constant 0 : i32
    return %arg0, %c0_i32 : i32, i32
  }
  func.func @transform_1(%arg0: i32) -> (i32, i32, i32) {
    %c0_i32 = arith.constant 0 : i32
    %c0_i32_0 = arith.constant 0 : i32
    %c0_i32_1 = arith.constant 0 : i32
    return %c0_i32, %arg0, %c0_i32_0 : i32, i32, i32
  }
  func.func @transform_2(%arg0: i32) -> (i32, i32, i32) {
    %c1_i32 = arith.constant 1 : i32
    %c0_i32 = arith.constant 0 : i32
    %c0_i32_0 = arith.constant 0 : i32
    return %c1_i32, %arg0, %c0_i32 : i32, i32, i32
  }
  func.func @transform_3(%arg0: i32) -> (i32, i32) {
    %c0_i32 = arith.constant 0 : i32
    %c0_i32_0 = arith.constant 0 : i32
    %c0_i32_1 = arith.constant 0 : i32
    return %c0_i32, %c0_i32_0 : i32, i32
  }
  func.func @transform_4(%arg0: i32) -> (i32, i32) {
    %c0_i32 = arith.constant 0 : i32
    %c0_i32_0 = arith.constant 0 : i32
    %c0_i32_1 = arith.constant 0 : i32
    return %c0_i32, %c0_i32_0 : i32, i32
  }
  func.func @transform_5(%arg0: i32) -> (i32, i32) {
    %c0_i32 = arith.constant 0 : i32
    %c0_i32_0 = arith.constant 0 : i32
    %c0_i32_1 = arith.constant 0 : i32
    return %c0_i32, %c0_i32_0 : i32, i32
  }
  func.func @transform_6(%arg0: i32) -> (i32, i32) {
    %c0_i32 = arith.constant 0 : i32
    %c0_i32_0 = arith.constant 0 : i32
    return %arg0, %c0_i32 : i32, i32
  }
}

</mosaic_0001>

<sc_bundles>
// kernel: kernel.4.cloned.1.call-start
scs
__scs_entry_jumppad:
0x0: {  	(pc) =	sbr.rel $0x88, $3  }
0x1: {  	(tag) =	ssettag $0x0;
	lr =	simm.s32 $0x1  }
0x2: {  	[smem:$0x3F9C] =	sst lr;
	_ =	strace $0xD0000000  }
0x3: {  	_ = 	snop  }
0x4: {  	_ = 	snop  }
0x5: {  	_ = 	snop  }
0x6: {  	_ = 	snop  }
0x7: {  	_ = 	snop  }
__scs_overlays_trampoline_lowered:
0x8: {  	[smem:$0x3FAB] =	sst s0  }
0x9: {  	[smem:$0x3FAC] =	sst s1  }
0xa: {  	[smem:$0x3FAD] =	sst s2  }
0xb: {  	[smem:$0x3FAE] =	sst s3  }
0xc: {  	[smem:$0x3FAF] =	sst s4  }
0xd: {  	[smem:$0x3FB0] =	sst s5  }
0xe: {  	[smem:$0x3FB1] =	sst s6  }
0xf: {  	[smem:$0x3FB2] =	sst s7  }
0x10: {  	[smem:$0x3FB3] =	sst s8  }
0x11: {  	[smem:$0x3FB4] =	sst s9;
	s0 =	simm.s32 @!p0 $0x0  }
0x12: {  	s1 =	sld [smem:$0x3F9A];
	s0 =	simm.s32 @p0 $0x1  }
0x13: {  	[smem:$0x3FB5] =	sst s0;
	s0 =	simm.s32 @!p1 $0x0  }
0x14: {  	s2 =	sld [smem:$0x3F99];
	s0 =	simm.s32 @p1 $0x1  }
0x15: {  	[smem:$0x3FB6] =	sst s0;
	s0 =	simm.s32 @!p2 $0x0  }
0x16: {  	s3 =	sld [smem:$0x3FDB];
	s0 =	simm.s32 @p2 $0x1  }
0x17: {  	s4 =	simm.s32 $0x1BF5;
	[smem:$0x3FB8] =	sst s0  }
0x18: {  	s0 =	sld [smem:$0x3F9B];
	_ =	swait.ge [sflag:s4], $0x0  }
0x19: {  	s7 =	sld [smem:$0x3F9C]  }
0x1a: {  	s8 =	sadd.s32 $0xFFFFE003, lr  }
0x1b: {  	s9 =	sadd.s32 $0xFFFFFEF7, lr;
	s5 =	simm.s32 $0xFFFFFFFF;
	p2 =	slt.u32 s8, $0xFFFFF086  }
0x1c: {  	p1 =	slt.u32 s9, $0xF7A;
	s5 =	simm.s32 @!p2 $0x0  }
0x1d: {  	s5 =	simm.s32 @p1 $0x1;
	p0 =	seq.s32 s7, s2  }
0x1e: {  	s7 =	smul.u32 @!p0 $0xF7A, s2;
	p2 =	seq.s32 @!p0 s5, $0x0  }
0x1f: {  	s9 =	smul.u32 $0xF7A, s1;
	s8 =	simm.s32 @!p0 $0x1BF5;
	p2 =	por !p2, p0  }
0x20: {  	[sflag:s8] =	ssyncset.s32 @!p0 $0xFFFFF086;
	s6 =	sadd.s32 @!p0 s3, s7;
	s7 =	simm.s32 @!p0 $0x108  }
0x21: {  	s3 =	sadd.s32 s3, s9;
	s6 =	sadd.s32 @!p0 $0x88, s6;
	s7 =	simm.s32 @p2 $0x1082  }
0x22: {  	[simem:s7], [sflag:s8] =	dma.local @!p0 [hbm:s6], $0xF7A  }
0x23: {  	s9 =	sor.u32 $0xD0000000, s2;
	s6 =	simm.s32 $0x108;
	_ =	swait.ge @!p0 [sflag:s8], $0x0  }
0x24: {  	s3 =	sadd.s32 $0x88, s3;
	s6 =	simm.s32 @!p1 $0x1082;
	[sflag:s4] =	ssyncset.s32 $0xFFFFF086  }
0x25: {  	[simem:s6], [sflag:s4] =	dma.local [hbm:s3], $0xF7A  }
0x26: {  	[smem:$0x3F9C] =	sst s1;
	(tag) =	ssettag s2;
	_ =	strace s9  }
0x27: {  	s1 =	sld [smem:$0x3FAC]  }
0x28: {  	s2 =	sld [smem:$0x3FAD]  }
0x29: {  	s4 =	sld [smem:$0x3FAF]  }
0x2a: {  	p0 =	seq.s32 s5, $0x0;
	s5 =	sld [smem:$0x3FB0]  }
0x2b: {  	s6 =	sld [smem:$0x3FB1]  }
0x2c: {  	s7 =	sld [smem:$0x3FB2]  }
0x2d: {  	s3 =	simm.s32 $0x108;
	s8 =	sld [smem:$0x3FB3]  }
0x2e: {  	s3 =	simm.s32 @!p0 $0x1082;
	s9 =	sld [smem:$0x3FB4]  }
0x2f: {  	lr =	sadd.s32 s0, s3;
	s0 =	sld [smem:$0x3FAB]  }
0x30: {  	s3 =	sld [smem:$0x3FAE]  }
0x31: {  	[smem:$0x3FB7] =	sst s10  }
0x32: {  	s10 =	sld [smem:$0x3FB5];
	_ =	sdelay $0x3  }
0x33: {  	p0 =	seq.s32 s10, $0x1;
	s10 =	sld [smem:$0x3FB7];
	_ =	sdelay $0x3  }
0x34: {  	[smem:$0x3FB7] =	sst s10  }
0x35: {  	s10 =	sld [smem:$0x3FB6];
	_ =	sdelay $0x3  }
0x36: {  	p1 =	seq.s32 s10, $0x1;
	s10 =	sld [smem:$0x3FB7];
	_ =	sdelay $0x3  }
0x37: {  	[smem:$0x3FB7] =	sst s10  }
0x38: {  	s10 =	sld [smem:$0x3FB8]  }
0x39: {  	_ = 	snop;
	(pc) =	sbr.ind lr, $3  }
0x3a: {  	_ = 	snop  }
0x3b: {  	_ = 	snop  }
0x3c: {  	p2 =	seq.s32 s10, $0x1;
	s10 =	sld [smem:$0x3FB7]  }
0x3d: {  	_ =	shalt  }
0x3e: {  	_ =	shalt  }
0x3f: {  	_ =	shalt  }
0x40: {  	_ =	shalt  }
0x41: {  	_ =	shalt  }
0x42: {  	_ =	shalt  }
0x43: {  	_ =	shalt  }
0x44: {  	_ =	shalt  }
0x45: {  	_ =	shalt  }
0x46: {  	_ =	shalt  }
0x47: {  	_ =	shalt  }
0x48: {  	_ =	shalt  }
0x49: {  	_ =	shalt  }
0x4a: {  	_ =	shalt  }
0x4b: {  	_ =	shalt  }
0x4c: {  	_ =	shalt  }
0x4d: {  	_ =	shalt  }
0x4e: {  	_ =	shalt  }
0x4f: {  	_ =	shalt  }
0x50: {  	_ =	shalt  }
0x51: {  	_ =	shalt  }
0x52: {  	_ =	shalt  }
0x53: {  	_ =	shalt  }
0x54: {  	_ =	shalt  }
0x55: {  	_ =	shalt  }
0x56: {  	_ =	shalt  }
0x57: {  	_ =	shalt  }
0x58: {  	_ =	shalt  }
0x59: {  	_ =	shalt  }
0x5a: {  	_ =	shalt  }
0x5b: {  	_ =	shalt  }
0x5c: {  	_ =	shalt  }
0x5d: {  	_ =	shalt  }
0x5e: {  	_ =	shalt  }
0x5f: {  	_ =	shalt  }
0x60: {  	_ =	shalt  }
0x61: {  	_ =	shalt  }
0x62: {  	_ =	shalt  }
0x63: {  	_ =	shalt  }
0x64: {  	_ =	shalt  }
0x65: {  	_ =	shalt  }
0x66: {  	_ =	shalt  }
0x67: {  	_ =	shalt  }
0x68: {  	_ =	shalt  }
0x69: {  	_ =	shalt  }
0x6a: {  	_ =	shalt  }
0x6b: {  	_ =	shalt  }
0x6c: {  	_ =	shalt  }
0x6d: {  	_ =	shalt  }
0x6e: {  	_ =	shalt  }
0x6f: {  	_ =	shalt  }
0x70: {  	_ =	shalt  }
0x71: {  	_ =	shalt  }
0x72: {  	_ =	shalt  }
0x73: {  	_ =	shalt  }
0x74: {  	_ =	shalt  }
0x75: {  	_ =	shalt  }
0x76: {  	_ =	shalt  }
0x77: {  	_ =	shalt  }
0x78: {  	_ =	shalt  }
0x79: {  	_ =	shalt  }
0x7a: {  	_ =	shalt  }
0x7b: {  	_ =	shalt  }
0x7c: {  	_ =	shalt  }
0x7d: {  	_ =	shalt  }
0x7e: {  	_ =	shalt  }
0x7f: {  	_ =	shalt  }
0x80: {  	_ =	shalt  }
0x81: {  	_ =	shalt  }
0x82: {  	_ =	shalt  }
0x83: {  	_ =	shalt  }
0x84: {  	_ =	shalt  }
0x85: {  	_ =	shalt  }
0x86: {  	_ =	shalt  }
0x87: {  	_ =	shalt  }
.Lfunc_end0:
.L_simem_size_0:
called_computation_lowered:
.L_overlay_start_0:
0x88: {  	s2 =	sld [smem:$0x3FD9]  }
0x89: {  	s3 =	sld [smem:$0x3FFE];
	_ =	sdelay $0x1  }
0x8a: {  	s1 =	srdreg.scid  }
0x8b: {  	s0 =	sand.u32 $0x1, s1  }
0x8c: {  	s17 =	sshll.u32 s0, $0xA;
	s2 =	sadd.s32 s3, s2  }
0x8d: {  	s2 =	sadd.s32 s2, s17  }
0x8e: {  	[smem:$0x3FC3] =	sst s2  }
0x8f: {  	_ = 	snop  }
0x90: {  	s2 =	sld [smem:$0x3FC9]  }
0x91: {  	s18 =	sld [smem:$0x3FD0];
	(tm) =	ssettm $0x1  }
0x92: {  	s4 =	sld [smem:$0x3FFB];
	_ =	sdelay $0x3  }
0x93: {  	_ =	strace s4  }
0x94: {  	s4 =	sld [smem:$0x3FFC];
	_ =	sdelay $0x3  }
0x95: {  	_ =	strace s4  }
0x96: {  	s4 =	sld [smem:$0x3FFD];
	_ =	sdelay $0x3  }
0x97: {  	_ =	strace s4  }
0x98: {  	_ =	strace $0x8FFFFFFF  }
0x99: {  	s19 =	sld [smem:$0x3FDB];
	_ =	sdelay $0x1  }
0x9a: {  	s5 =	simm.s32 $_scs_section_size  }
0x9b: {  	s6 =	simm.s32 $_size__tile_overlayer_lowered;
	s7 =	simm.s32 $_tile_overlayer_lowered  }
0x9c: {  	s22 =	simm.s32 $0x1BFF;
	s21 =	sshll.u32 s7, $0x1;
	s4 =	sadd.s32 s5, s19  }
0x9d: {  	s8 =	simm.s32 $0x0;
	s20 =	sshll.u32 s6, $0x1;
	s6 =	sadd.s32 s21, s4  }
0x9e: {  	[timem:s8], [sflag:s22] =	dma.local [hbm:s6], s20  }
0x9f: {  	_ =	swait.ge [sflag:s22], s20  }
0xa0: {  	s5 =	ssub.s32 $0x0, s20;
	[sflag:s22] =	ssyncset.done $0x0  }
0xa1: {  	[sflag:s22] =	ssyncadd.s32 s5;
	_ =	sdelay $0x1  }
0xa2: {  	s23 =	simm.s32 $0x1B8B  }
0xa3: {  	_ =	swait.ge [sflag:s23], $0x1  }
0xa4: {  	[sflag:s23] =	ssyncset.done $0x0  }
0xa5: {  	s25 =	simm.s32 $0x1B8E;
	s24 =	sld [smem:$0x3FFE];
	[sflag:s23] =	ssyncadd.s32 $0xFFFFFFFF  }
0xa6: {  	s26 =	simm.s32 $execute0_lowered;
	[smem:$0x3FD2] =	sst s25  }
0xa7: {  	s6 =	sshll.u32 s26, $0x1;
	_ =	strace $0x80000046;
	[dreg:$0x1] =	wrdreg $0xFFFFFFFF  }
0xa8: {  	s28 =	simm.s32 $_size_execute0_lowered;
	s4 =	sadd.s32 s4, s6;
	[dreg:$0x0] =	wrdreg $0x0  }
0xa9: {  	s6 =	sshll.u32 s28, $0x1;
	[dreg:$0x2] =	wrdreg s4  }
0xaa: {  	[dreg:$0x3] =	wrdreg s6  }
0xab: {  	[dreg:$0x4] =	wrdreg $0xC0  }
0xac: {  	_ =	task [dreg:s8], $0x5FFFF  }
0xad: {  	[dreg:$0x1] =	wrdreg $0xFFFFFFFF  }
0xae: {  	[dreg:$0x0] =	wrdreg $0x60  }
0xaf: {  	[dreg:$0x2] =	wrdreg s2  }
0xb0: {  	[dreg:$0x3] =	wrdreg s18  }
0xb1: {  	[dreg:$0x4] =	wrdreg s24  }
0xb2: {  	[dreg:$0x5] =	wrdreg $0x70000  }
0xb3: {  	[dreg:$0x6] =	wrdreg $0x9  }
0xb4: {  	_ =	task.clear_ibuf [dreg:s8], $0x7FFFF;
	_ =	strace $0x90000046  }
0xb5: {  	s29 =	simm.s32 $0x9;
	_ =	strace $0x80000048  }
0xb6: {  	_ =	swait.ge [sflag:s29], $0x1  }
0xb7: {  	[sflag:s29] =	ssyncadd.s32 $0xFFFFFFFF  }
0xb8: {  	_ =	strace $0x90000048  }
0xb9: {  	_ =	sfence  }
0xba: {  	s30 =	sld [smem:$0x0];
	_ =	sdelay $0x2  }
0xbb: {  	s31 =	sshll.u32 s1, $0xD;
	s1 =	sshrl.u32 s1, $0x2  }
0xbc: {  	s3 =	sand.u32 $0x4000, s31;
	s1 =	sadd.s32 s1, s30  }
0xbd: {  	s0 =	sor.u32 s3, s0;
	s1 =	sshll.u32 s1, $0x11  }
0xbe: {  	s0 =	sor.u32 s1, s0  }
0xbf: {  	s0 =	sadd.s32 $0x8F2B, s0  }
0xc0: {  	[sflag:s0] =	ssyncadd.remote.s32 $0x1  }
0xc1: {  	_ =	sfence.sel $0xFFFF  }
0xc2: {  	[dreg:$0x0] =	wrdreg $0xFFFFFFFF;
	(pc) =	sbr.abs _section_cstart, $3  }
0xc3: {  	[dreg:$0x1] =	wrdreg $0xFFFFFFFF  }
0xc4: {  	_ =	task.clear_ibuf [dreg:s8], $0x2FFFF;
	_ =	strace $0x9FFFFFFF  }
0xc5: {  	(tm) =	ssettm $0x7FFFFFFF  }
tec
execute0_lowered:
.L_overlay_start_1:
0x0: {  	(tag) =	ssettag $0x1  }
0x1: {  	s1 =	rddreg [dreg:$0x0]  }
0x2: {  	s9 =	rddreg [dreg:$0x1]  }
0x3: {  	s6 =	rddreg [dreg:$0x2]  }
0x4: {  	s2 =	rddreg [dreg:$0x3]  }
0x5: {  	s0 =	rddreg [dreg:$0x4];
	s3 =	simm.s32 $0x0;
	s4 =	srdreg.scid  }
0x6: {  	s17 =	simm.s32 $0x3C00;
	s18 =	simm.s32 $0x1;
	s19 =	simm.s32 $0x3  }
0x7: {  	s20 =	simm.s32 $0x2;
	[smem:$0x7FF] =	sst s3;
	s11 =	sand.u32 $0x1, s4  }
0x8: {  	s21 =	simm.s32 $0x4;
	s4 =	stileid.u32;
	s7 =	smul.u32 $0x28000, s11  }
0x9: {  	s10 =	sadd.s32 $0xC00, s6;
	s5 =	sadd.s32 $0xD400, s6;
	s14 =	smul.u32 $0x50000, s4  }
0xa: {  	_ =	strace $0x80000047;
	s8 =	ssub.s32 $0x2, s11;
	s16 =	smul.u32 $0xC80, s4  }
0xb: {  	s13 =	sshll.u32 s4, $0x1;
	s30 =	sshll.u32 s4, $0x6;
	s23 =	smul.u32 $0x2800, s4  }
0xc: {  	s12 =	sshrl.u32 s8, $0x1;
	s28 =	sor.u32 s11, s13;
	s11 =	smul.u32 $0x640, s11  }
0xd: {  	s15 =	sadd.s32 s7, s6;
	s29 =	sshrl.u32 s14, $0x2;
	s13 =	smul.u32 $0x640, s28  }
0xe: {  	s12 =	ssub.s32 s8, s12;
	s6 =	sor.u32 $0x1C06, s30;
	s14 =	sadd.s32 s29, s2  }
0xf: {  	s22 =	sadd.s32 $0xFC00, s15;
	s15 =	simm.s32 $0x64;
	s7 =	sadd.s32 s9, s13  }
.Ltmp0:
0x10: {  	s8 =	sadd.s32 s10, s13;
	s9 =	sadd.s32 s16, s9;
	(pc) =	sbr.rel .LBB2_1-.Ltmp0, $4  }
0x11: {  	s10 =	sadd.s32 s16, s10;
	s13 =	simm.s32 $0x6;
	s16 =	simm.s32 $0x800  }
0x12: {  	s22 =	sadd.s32 s23, s22;
	s23 =	simm.s32 $0x0;
	s31 =	sadd.s32 s11, s9  }
0x13: {  	s11 =	sadd.s32 s11, s10;
	s9 =	smax.u32 s12, $0x1;
	s12 =	sshrl.u32 s14, $0x3  }
0x14: {  	s14 =	simm.s32 $0x400;
	s10 =	sadd.s32 $0x40, s31;
	s11 =	sadd.s32 $0x40, s11  }
.LBB2_6:
0x15: {  	_ =	swait.ge [sflag:s19], $0x3200  }
0x16: {  	[sflag:s19] =	ssyncset.done $0x0  }
0x17: {  	[sflag:s19] =	ssyncadd.s32 $0xFFFFCE00  }
0x18: {  	_ =	swait.ge [sflag:s21], $0x3200  }
0x19: {  	s23 =	sadd.s32 $0x1, s23;
	[sflag:s21] =	ssyncset.done $0x0  }
0x1a: {  	p0 =	sne.s32 s23, s9;
	[sflag:s21] =	ssyncadd.s32 $0xFFFFCE00  }
.Ltmp1:
0x1b: {  	[bflag:$0x0] =	sbarrier.arrive $0xFFFF;
	(pc) =	sbr.rel @!p0 .LBB2_7-.Ltmp1, $4  }
0x1c: {  	[hbm:s22], [sflag:s6] =	dma.local [spmem:s12], $0x2800  }
0x1d: {  	_ =	swait.ge [sflag:s13], $0x2800  }
0x1e: {  	[sflag:s13] =	ssyncset.done $0x0  }
0x1f: {  	[sflag:s13] =	ssyncadd.s32 $0xFFFFD800  }
.LBB2_1:
0x20: {  	[spmem:s12], [sflag:s6] =	dma.local [hbm:s5], $0x2800  }
0x21: {  	_ =	swait.ge [sflag:s13], $0x2800  }
0x22: {  	[sflag:s13] =	ssyncset.done $0x0  }
0x23: {  	[sflag:s13] =	ssyncadd.s32 $0xFFFFD800  }
0x24: {  	[tilespmem:s3], [sflag:$0x6] =	stream.linear.gather [hbm4b:s7+s3], $0x200, $0x38;
	[tilespmem:$0x1B000] =	vst v63  }
0x25: {  	_ =	swait.ge [sflag:s13], $0x200  }
0x26: {  	[sflag:s13] =	ssyncset.done $0x0  }
0x27: {  	[sflag:s13] =	ssyncadd.s32 $0xFFFFFE00  }
0x28: {  	[tilespmem:s14], [sflag:$0x6] =	stream.linear.gather [hbm4b:s8+s3], $0x200, $0x38;
	[tilespmem:$0x1B000] =	vst v63  }
.Ltmp2:
0x29: {  	_ =	swait.ge [sflag:s13], $0x200;
	(pc) =	sbr.rel .LBB2_2-.Ltmp2, $4  }
0x2a: {  	[sflag:s13] =	ssyncset.done $0x0  }
0x2b: {  	[sflag:s13] =	ssyncadd.s32 $0xFFFFFE00  }
0x2c: {  	s24 =	simm.s32 $0x0;
	s25 =	simm.s32 $0x0;
	[bflag:$0x0] =	sbarrier.arrive $0xFFFF  }
0x2d: {  	[tilespmem:s16], [sflag:$0x1] =	stream.indirect.gather [hbm4b:s1+s15], $0x80, s3, s15, $0xb8;
	[tilespmem:$0x1B000] =	vst v63  }
.LBB2_4:
0x2e: {  	s26 =	sand.u32 $0x200, s25  }
0x2f: {  	s29 =	sadd.s32 s24, s10;
	s28 =	sxor.u32 $0x200, s26  }
0x30: {  	[tilespmem:s28], [sflag:$0x5] =	stream.linear.gather [hbm4b:s29+s3], $0x200, $0x38;
	[tilespmem:$0x1B000] =	vst v63  }
0x31: {  	s31 =	sadd.s32 s24, s11;
	p0 =	por $0x0, $0x0;
	s30 =	sxor.u32 $0x600, s26  }
0x32: {  	[tilespmem:s30], [sflag:$0x5] =	stream.linear.gather [hbm4b:s31+s3], $0x200, $0x38;
	[tilespmem:$0x1B000] =	vst v63  }
.LBB2_5:
0x33: {  	s28 =	sor.u32 $0x80, s26  }
0x34: {  	[tilespmem:s17], [sflag:$0x2] =	stream.indirect.gather [hbm4b:s1+s15], $0x80, s28, s15, $0xb8;
	[tilespmem:$0x1B000] =	vst v63  }
0x35: {  	_ =	swait.ge [sflag:s18], $0x3200  }
0x36: {  	[sflag:s18] =	ssyncset.done $0x0  }
0x37: {  	s31 =	sor.u32 $0x400, s26;
	[sflag:s18] =	ssyncadd.s32 $0xFFFFCE00  }
0x38: {  	[spmem:s2] =	stream.indirect.scatter.add.f32 [tilespmem:s16], [sflag:$0x3], $0x80, s31, s15, $0xb8;
	[tilespmem:$0x1B000] =	vst v63  }
0x39: {  	_ =	swait.ge [sflag:s19], $0x3200  }
0x3a: {  	[sflag:s19] =	ssyncset.done $0x0  }
0x3b: {  	s29 =	sor.u32 $0x100, s26;
	[sflag:s19] =	ssyncadd.s32 $0xFFFFCE00  }
0x3c: {  	[tilespmem:s16], [sflag:$0x1] =	stream.indirect.gather [hbm4b:s1+s15], $0x80, s29, s15, $0xb8;
	[tilespmem:$0x1B000] =	vst v63  }
0x3d: {  	_ =	swait.ge [sflag:s20], $0x3200  }
0x3e: {  	[sflag:s20] =	ssyncset.done $0x0  }
0x3f: {  	s30 =	sor.u32 $0x480, s26;
	[sflag:s20] =	ssyncadd.s32 $0xFFFFCE00  }
0x40: {  	[spmem:s2] =	stream.indirect.scatter.add.f32 [tilespmem:s17], [sflag:$0x4], $0x80, s30, s15, $0xb8;
	[tilespmem:$0x1B000] =	vst v63  }
0x41: {  	_ =	swait.ge [sflag:s21], $0x3200  }
0x42: {  	[sflag:s21] =	ssyncset.done $0x0  }
0x43: {  	s31 =	sor.u32 $0x180, s26;
	[sflag:s21] =	ssyncadd.s32 $0xFFFFCE00  }
0x44: {  	[tilespmem:s17], [sflag:$0x2] =	stream.indirect.gather [hbm4b:s1+s15], $0x80, s31, s15, $0xb8;
	[tilespmem:$0x1B000] =	vst v63  }
0x45: {  	_ =	swait.ge [sflag:s18], $0x3200  }
0x46: {  	[sflag:s18] =	ssyncset.done $0x0  }
0x47: {  	s29 =	sor.u32 $0x500, s26;
	[sflag:s18] =	ssyncadd.s32 $0xFFFFCE00  }
0x48: {  	[spmem:s2] =	stream.indirect.scatter.add.f32 [tilespmem:s16], [sflag:$0x3], $0x80, s29, s15, $0xb8;
	[tilespmem:$0x1B000] =	vst v63  }
0x49: {  	s29 =	simm.s32 @!p0 $0x3  }
0x4a: {  	_ =	swait.ge @!p0 [sflag:s29], $0x3200  }
0x4b: {  	[sflag:s29] =	ssyncset.done @!p0 $0x0  }
0x4c: {  	[sflag:s29] =	ssyncadd.s32 @!p0 $0xFFFFCE00;
	s29 =	simm.s32 @!p0 $0x5  }
0x4d: {  	_ =	swait.ge @!p0 [sflag:s29], $0x200  }
0x4e: {  	[sflag:s29] =	ssyncset.done @!p0 $0x0  }
0x4f: {  	[sflag:s29] =	ssyncadd.s32 @!p0 $0xFFFFFE00  }
0x50: {  	_ =	swait.ge @!p0 [sflag:s29], $0x200  }
0x51: {  	s24 =	sadd.s32 $0x40, s24;
	s26 =	ssub.s32 @!p0 $0x200, s26;
	[sflag:s29] =	ssyncset.done @!p0 $0x0  }
0x52: {  	s30 =	simm.s32 @!p0 $0x800;
	[sflag:s29] =	ssyncadd.s32 @!p0 $0xFFFFFE00;
	s29 =	simm.s32 @!p0 $0x64  }
0x53: {  	[tilespmem:s30], [sflag:$0x1] =	stream.indirect.gather @!p0 [hbm4b:s1+s29], $0x80, s26, s29, $0xb8;
	[tilespmem:$0x1B000] =	vst v63  }
0x54: {  	p0 =	sne.s32 s24, $0x640  }
.Ltmp3:
0x55: {  	_ = 	snop;
	(pc) =	sbr.rel @!p0 .LBB2_6-.Ltmp3, $4  }
0x56: {  	_ =	swait.ge [sflag:s20], $0x3200  }
0x57: {  	[sflag:s20] =	ssyncset.done $0x0  }
0x58: {  	s25 =	sadd.s32 $0x200, s25;
	s31 =	sor.u32 $0x400, s31;
	[sflag:s20] =	ssyncadd.s32 $0xFFFFCE00  }
0x59: {  	[spmem:s2] =	stream.indirect.scatter.add.f32 [tilespmem:s17], [sflag:$0x4], $0x80, s31, s15, $0xb8;
	[tilespmem:$0x1B000] =	vst v63  }
.LBB2_2:
0x5a: {  	p1 =	seq.s32 s24, $0x0  }
0x5b: {  	p0 =	seq.s32 @!p1 s24, $0x600  }
0x5c: {  	p0 =	por p1, !p0  }
.Ltmp4:
0x5d: {  	_ = 	snop;
	(pc) =	sbr.rel @p0 .LBB2_4-.Ltmp4, $4  }
0x5e: {  	s26 =	simm.s32 @!p1 $0x4  }
0x5f: {  	_ =	swait.ge @!p1 [sflag:s26], $0x3200  }
0x60: {  	[sflag:s26] =	ssyncset.done @!p1 $0x0  }
0x61: {  	[sflag:s26] =	ssyncadd.s32 @!p1 $0xFFFFCE00  }
.Ltmp5:
0x62: {  	(pc) =	sbr.rel .LBB2_5-.Ltmp5, $2  }
0x63: {  	_ =	sdelay $0x2  }
0x64: {  	p0 =	por @!p1 $0x1, $0x1;
	s26 =	simm.s32 @!p1 $0x0  }
.LBB2_7:
0x65: {  	_ =	sfence.sel $0x180000  }
0x66: {  	[bflag:$0x0] =	sbarrier.arrive $0xFFFF  }
0x67: {  	p0 =	sne.s32 s4, $0x0;
	_ =	strace $0x90000047  }
0x68: {  	s0 =	sadd.s32 @!p0 $0x100000, s0;
	[bflag:$0x2] =	sbarrier.arrive $0xFFFF  }
0x69: {  	[sflag:s0] =	ssyncadd.tile.s32 @!p0 $0x1;
	_ =	shalt  }
.Lfunc_end2:
_tile_overlayer_lowered:
.L_overlay_start_2:
0x6a: {  	(tag) =	ssettag $0x2  }
0x6b: {  	s0 =	rddreg [dreg:$0x0];
	s2 =	stileid.u32  }
0x6c: {  	s1 =	rddreg [dreg:$0x1];
	p0 =	sne.s32 s2, $0x0  }
0x6d: {  	s3 =	rddreg [dreg:$0x2];
	[bflag:$0x3] =	sbarrier.arrive $0xFFFF;
	s2 =	simm.s32 @!p0 $0x1C06  }
0x6e: {  	[timem:s3], [sflag:s2] =	dma.local @!p0 [hbm:s0], s1  }
0x6f: {  	s0 =	simm.s32 @!p0 $0x6  }
0x70: {  	_ =	swait.ge @!p0 [sflag:s0], s1  }
0x71: {  	s1 =	ssub.s32 @!p0 $0x0, s1;
	[sflag:s0] =	ssyncset.done @!p0 $0x0  }
0x72: {  	[sflag:s0] =	ssyncadd.s32 @!p0 s1  }
0x73: {  	[bflag:$0x3] =	sbarrier.arrive $0xFFFF  }
0x74: {  	_ =	shalt  }

</sc_bundles>
